<compile_context>
chip_gen: v7x
topology: tpu7x:2x2x1
jax: 0.10.2.dev20260603
libtpu: 0.0.44.dev20260713+nightly
codegen_flags: <defaults>
</compile_context>

<pallas_src>
import functools

import jax
import jax.numpy as jnp
from jax import lax
from jax.experimental import pallas as pl
from jax.experimental.pallas import tpu as pltpu
from jax.experimental.pallas import tpu_sc as plsc

F = 26
V = 100000
D = 16
B = 16384
H = 10
L = 5
C = 2

NW = 32
RPW = B // NW
CB = 128
NCHUNK = RPW // CB
PF = CB * F
PE = PF * D
GW = 2048
NG = PE // GW


V2 = 100352


def _compact_body(x_ref, out_ref):
    for d in range(D):
        out_ref[pl.ds(d * V2, V)] = x_ref[0, d]


def _compact_table(tab_t):
    return pl.pallas_call(
        _compact_body,
        grid=(F,),
        in_specs=[pl.BlockSpec((1, D, V), lambda f: (f, 0, 0))],
        out_specs=pl.BlockSpec((D * V2,), lambda f: (f,)),
        out_shape=jax.ShapeDtypeStruct((F * D * V2,), jnp.float32),
    )(tab_t)


def _sc_second_order(idx_flat, xv_flat, tab_flat):
    mesh = plsc.VectorSubcoreMesh(core_axis_name="c", subcore_axis_name="s")

    @functools.partial(
        pl.kernel,
        out_type=jax.ShapeDtypeStruct((B * D,), jnp.float32),
        mesh=mesh,
        compiler_params=pltpu.CompilerParams(use_tc_tiling_on_sc=False),
        scratch_types=[
            pltpu.VMEM((PF,), jnp.int32),
            pltpu.VMEM((PE,), jnp.int32),
            pltpu.VMEM((PF + 16,), jnp.float32),
            pltpu.VMEM((PE,), jnp.float32),
            pltpu.VMEM((CB * D,), jnp.float32),
            pltpu.SemaphoreType.DMA,
        ],
    )
    def body(idx_hbm, xv_hbm, tab_hbm, out_hbm, base_v, idx_v, xv_v, e_v,
             out_v, sem):
        wid = lax.axis_index("s") * 2 + lax.axis_index("c")
        vstep = lax.iota(jnp.int32, 16) * V2
        gdn = lax.GatherDimensionNumbers(
            offset_dims=(), collapsed_slice_dims=(0,), start_index_map=(0,))

        def chunk(c, carry):
            row0 = wid * RPW + c * CB
            p_base = row0 * F
            pltpu.sync_copy(idx_hbm.at[pl.ds(p_base, PF)], base_v)
            pltpu.sync_copy(xv_hbm.at[pl.ds(p_base, PF)], xv_v.at[pl.ds(0, PF)])

            def bgroup(g, carry3):
                bb = base_v[pl.ds(g * 16, 16)]
                for i in range(16):
                    lane_i = jnp.full((16, 1), i, jnp.int32)
                    bcast = lax.gather(
                        bb, lane_i, gdn, slice_sizes=(1,),
                        mode=lax.GatherScatterMode.PROMISE_IN_BOUNDS)
                    idx_v[pl.ds((g * 16 + i) * D, D)] = bcast + vstep
                return carry3

            lax.fori_loop(0, PF // 16, bgroup, 0)
            copies = [
                pltpu.async_copy(
                    tab_hbm.at[idx_v.at[pl.ds(j * GW, GW)]],
                    e_v.at[pl.ds(j * GW, GW)],
                    sem,
                )
                for j in range(NG)
            ]
            for cp in copies:
                cp.wait()

            def rowloop(b, carry2):
                p0 = b * F
                xv0 = xv_v[pl.ds(p0, 16)]
                xv1 = xv_v[pl.ds(p0 + 16, 16)]
                acc = jnp.zeros((16,), jnp.float32)
                accsq = jnp.zeros((16,), jnp.float32)
                for f in range(F):
                    src = xv0 if f < 16 else xv1
                    lane = jnp.full((16, 1), f % 16, jnp.int32)
                    xv = lax.gather(
                        src, lane,
                        lax.GatherDimensionNumbers(
                            offset_dims=(), collapsed_slice_dims=(0,),
                            start_index_map=(0,)),
                        slice_sizes=(1,),
                        mode=lax.GatherScatterMode.PROMISE_IN_BOUNDS)
                    e = e_v[pl.ds((p0 + f) * D, D)]
                    s = e * xv
                    acc = acc + s
                    accsq = accsq + s * s
                out_v[pl.ds(b * D, D)] = 0.5 * (acc * acc - accsq)
                return carry2

            lax.fori_loop(0, CB, rowloop, 0)
            pltpu.sync_copy(out_v, out_hbm.at[pl.ds(row0 * D, CB * D)])
            return carry

        lax.fori_loop(0, NCHUNK, chunk, 0)

    return body(idx_flat, xv_flat, tab_flat)


BT = 512


def _mlp_body(x_ref, w0t_ref, b0_ref, wht_ref, bh_ref, wot_ref, bo_ref, out_ref):
    x = x_ref[...]
    h = jnp.maximum(
        jnp.dot(x, w0t_ref[...], preferred_element_type=jnp.float32)
        + b0_ref[...], 0.0)
    hs = [h]
    for i in range(L - 1):
        h = jnp.maximum(
            jnp.dot(hs[-1], wht_ref[i], preferred_element_type=jnp.float32)
            + bh_ref[i], 0.0)
        hs.append(h)
    for i in range(L):
        out_ref[i] = (
            jnp.dot(hs[i], wot_ref[i], preferred_element_type=jnp.float32)
            + bo_ref[i])


def _mlp(so, w0t, b0, wht, bh, wot, bo):
    grid = (B // BT,)
    return pl.pallas_call(
        _mlp_body,
        grid=grid,
        in_specs=[
            pl.BlockSpec((BT, D), lambda i: (i, 0)),
            pl.BlockSpec((D, H), lambda i: (0, 0)),
            pl.BlockSpec((H,), lambda i: (0,)),
            pl.BlockSpec((L - 1, H, H), lambda i: (0, 0, 0)),
            pl.BlockSpec((L - 1, H), lambda i: (0, 0)),
            pl.BlockSpec((L, H, C), lambda i: (0, 0, 0)),
            pl.BlockSpec((L, C), lambda i: (0, 0)),
        ],
        out_specs=pl.BlockSpec((L, BT, C), lambda i: (0, i, 0)),
        out_shape=jax.ShapeDtypeStruct((L, B, C), jnp.float32),
    )(so, w0t, b0, wht, bh, wot, bo)


def kernel(Xi, Xv, tables, W0, b0, Wh, bh, Wo, bo):
    base = Xi[:, :, 0].astype(jnp.int32) + (
        jnp.arange(F, dtype=jnp.int32) * (D * V2))[None, :]
    idx_flat = base.reshape(B * F)
    xv_flat = Xv.reshape(B * F)
    tab_flat = _compact_table(jnp.transpose(tables, (0, 2, 1)))
    so = _sc_second_order(idx_flat, xv_flat, tab_flat).reshape(B, D)
    return _mlp(so, W0.T, b0, Wh.transpose(0, 2, 1), bh,
                Wo.transpose(0, 2, 1), bo)

# --- scband reference (transcript-rebuilt; emitter-appended) ---
"""Pipeline reference for scband-onn-nfm-27496380629810 (READ-ONLY COPY).

The authoritative reference and input builder live on the scoring server;
editing this copy changes nothing except your own understanding.
"""

import jax, jax.numpy as jnp
import numpy as np

F = 26          # field_size
V = 100000      # vocab per field
D = 16          # embedding_size
B = 16384       # batch_size
H = 10          # qtd_neuron_per_hidden_layer
L = 5           # max_num_hidden_layers
C = 2           # n_classes


def setup_inputs(seed: int = 0) -> dict:
    key = jax.random.key(seed)
    ks = jax.random.split(key, 8)
    Xi = jax.random.randint(ks[0], (B, F, 1), 0, V, dtype=jnp.int64 if jax.config.read('jax_enable_x64') else jnp.int32)
    Xv = jax.random.uniform(ks[1], (B, F), dtype=jnp.float32)
    tables = jax.random.normal(ks[2], (F, V, D), dtype=jnp.float32) * 0.01
    W0 = jax.random.normal(ks[3], (H, D), dtype=jnp.float32) * 0.1
    b0 = jnp.zeros((H,), dtype=jnp.float32)
    Wh = jax.random.normal(ks[4], (L - 1, H, H), dtype=jnp.float32) * 0.1
    bh = jnp.zeros((L - 1, H), dtype=jnp.float32)
    Wo = jax.random.normal(ks[5], (L, C, H), dtype=jnp.float32) * 0.1
    bo = jnp.zeros((L, C), dtype=jnp.float32)
    return {"Xi": Xi, "Xv": Xv, "tables": tables, "W0": W0, "b0": b0,
            "Wh": Wh, "bh": bh, "Wo": Wo, "bo": bo}


def reference(Xi, Xv, tables, W0, b0, Wh, bh, Wo, bo):
    # second_order (NFM bi-interaction):
    # per-field embedding lookup, scaled by Xv
    idx = Xi[:, :, 0]                                  # [B, F]
    emb = tables[jnp.arange(F)[None, :], idx]          # [B, F, D] gather
    scaled = emb * Xv[:, :, None]                      # [B, F, D]
    sum_emb = jnp.sum(scaled, axis=1)                  # [B, D]
    sum_sq = sum_emb * sum_emb                         # (sum)^2
    sq_sum = jnp.sum(scaled * scaled, axis=1)          # sum(sq)
    second_order = 0.5 * (sum_sq - sq_sum)             # [B, D]

    # hidden layers with per-layer output heads
    h = jax.nn.relu(second_order @ W0.T + b0)          # [B, H]
    hidden = [h]
    for i in range(L - 1):
        h = jax.nn.relu(hidden[-1] @ Wh[i].T + bh[i])
        hidden.append(h)
    outs = [hidden[i] @ Wo[i].T + bo[i] for i in range(L)]
    pred_per_layer = jnp.stack(outs)                   # [L, B, C]
    return pred_per_layer

if __name__ == "__main__":
    import jax
    _d = setup_inputs()
    print(jax.jit(kernel)(*tuple(_d.values())))

</pallas_src>

<mosaic_0001>
#map = affine_map<(d0, d1) -> (0)>
module attributes {stable_mosaic.version = 14 : i64} {
  func.func @body(%arg0: i32, %arg1: i32, %arg2: memref<425984xi32, #tpu.memory_space<hbm>>, %arg3: memref<425984xf32, #tpu.memory_space<hbm>>, %arg4: memref<41746432xf32, #tpu.memory_space<hbm>>, %arg5: memref<262144xf32, #tpu.memory_space<hbm>>, %arg6: memref<3328xi32, #tpu.memory_space<vmem>>, %arg7: memref<53248xi32, #tpu.memory_space<vmem>>, %arg8: memref<3344xf32, #tpu.memory_space<vmem>>, %arg9: memref<53248xf32, #tpu.memory_space<vmem>>, %arg10: memref<2048xf32, #tpu.memory_space<vmem>>, %arg11: memref<!tpu.dma_semaphore, #tpu.memory_space<semaphore_mem>>) attributes {dimension_semantics = [#tpu.dimension_semantics<core_parallel>, #tpu.dimension_semantics<subcore_parallel>], iteration_bounds = array<i64: 2, 16>, scalar_prefetch = 0 : i64, scratch_operands = 6 : i64, tpu.core_type = #tpu.core_type<sc_vector_subcore>, window_params = [{transform_indices = #map}, {transform_indices = #map}, {transform_indices = #map}, {transform_indices = #map}]} {
    %mul3A = arith.constant 2 : i32
    %mul3A_0 = arith.muli %arg1, %mul3A : i32
    %add3A = arith.addi %mul3A_0, %arg0 : i32
    %iota3A = tpu.iota {dimensions = array<i32: 0>} : vector<16xi32>
    %mul3A_1 = arith.constant 100352 : i32
    %mul3A_2 = vector.broadcast %mul3A_1 : i32 to vector<16xi32>
    %mul3A_3 = arith.muli %iota3A, %mul3A_2 : vector<16xi32>
    %scan3A = arith.constant 0 : i32
    %scan3A_4 = arith.constant 0 : i32
    %scan3A_5 = arith.constant 4 : i32
    %scan3A_6 = arith.addi %scan3A_4, %scan3A_5 : i32
    %scan3A_7 = arith.constant 1 : i32
    scf.for %scan3A_9 = %scan3A_4 to %scan3A_6 step %scan3A_7  : i32 {
      %mul3A_10 = arith.constant 512 : i32
      %mul3A_11 = arith.muli %add3A, %mul3A_10 : i32
      %mul3A_12 = arith.constant 128 : i32
      %mul3A_13 = arith.muli %scan3A_9, %mul3A_12 : i32
      %add3A_14 = arith.addi %mul3A_11, %mul3A_13 : i32
      %mul3A_15 = arith.constant 26 : i32
      %mul3A_16 = arith.muli %add3A_14, %mul3A_15 : i32
      "tpu.region"() ({
        %run_scoped3A = tpu.sem_alloc : memref<!tpu.dma_semaphore, #tpu.memory_space<semaphore_mem>>
        %dma_start3A_341 = tpu.memref_slice %arg2[%mul3A_16] : memref<425984xi32, #tpu.memory_space<hbm>> -> memref<3328xi32, #tpu.memory_space<hbm>>
        %dma_start3A_342 = tpu.memref_slice %arg2[%mul3A_16] : memref<425984xi32, #tpu.memory_space<hbm>> -> memref<3328xi32, #tpu.memory_space<hbm>>
        tpu.enqueue_dma source(%dma_start3A_342 : memref<3328xi32, #tpu.memory_space<hbm>>) target(%arg6 : memref<3328xi32, #tpu.memory_space<vmem>>) target_semaphore(%run_scoped3A : memref<!tpu.dma_semaphore, #tpu.memory_space<semaphore_mem>>)
        %dma_wait3A_343 = tpu.memref_slice %arg2[%mul3A_16] : memref<425984xi32, #tpu.memory_space<hbm>> -> memref<3328xi32, #tpu.memory_space<hbm>>
        %dma_wait3A_344 = tpu.memref_slice %arg2[%mul3A_16] : memref<425984xi32, #tpu.memory_space<hbm>> -> memref<3328xi32, #tpu.memory_space<hbm>>
        tpu.wait_dma2 semaphore(%run_scoped3A : memref<!tpu.dma_semaphore, #tpu.memory_space<semaphore_mem>>) src(%dma_wait3A_344 : memref<3328xi32, #tpu.memory_space<hbm>>) dst(%arg6 : memref<3328xi32, #tpu.memory_space<vmem>>)
        tpu.yield
      }) : () -> ()
      "tpu.region"() ({
        %run_scoped3A = tpu.sem_alloc : memref<!tpu.dma_semaphore, #tpu.memory_space<semaphore_mem>>
        %dma_start3A_341 = arith.constant 0 : i32
        %dma_start3A_342 = tpu.memref_slice %arg8[%dma_start3A_341] : memref<3344xf32, #tpu.memory_space<vmem>> -> memref<3328xf32, #tpu.memory_space<vmem>>
        %dma_start3A_343 = tpu.memref_slice %arg3[%mul3A_16] : memref<425984xf32, #tpu.memory_space<hbm>> -> memref<3328xf32, #tpu.memory_space<hbm>>
        %dma_start3A_344 = arith.constant 0 : i32
        %dma_start3A_345 = tpu.memref_slice %arg8[%dma_start3A_344] : memref<3344xf32, #tpu.memory_space<vmem>> -> memref<3328xf32, #tpu.memory_space<vmem>>
        %dma_start3A_346 = tpu.memref_slice %arg3[%mul3A_16] : memref<425984xf32, #tpu.memory_space<hbm>> -> memref<3328xf32, #tpu.memory_space<hbm>>
        tpu.enqueue_dma source(%dma_start3A_346 : memref<3328xf32, #tpu.memory_space<hbm>>) target(%dma_start3A_345 : memref<3328xf32, #tpu.memory_space<vmem>>) target_semaphore(%run_scoped3A : memref<!tpu.dma_semaphore, #tpu.memory_space<semaphore_mem>>)
        %dma_wait3A_347 = arith.constant 0 : i32
        %dma_wait3A_348 = tpu.memref_slice %arg8[%dma_wait3A_347] : memref<3344xf32, #tpu.memory_space<vmem>> -> memref<3328xf32, #tpu.memory_space<vmem>>
        %dma_wait3A_349 = tpu.memref_slice %arg3[%mul3A_16] : memref<425984xf32, #tpu.memory_space<hbm>> -> memref<3328xf32, #tpu.memory_space<hbm>>
        %dma_wait3A_350 = arith.constant 0 : i32
        %dma_wait3A_351 = tpu.memref_slice %arg8[%dma_wait3A_350] : memref<3344xf32, #tpu.memory_space<vmem>> -> memref<3328xf32, #tpu.memory_space<vmem>>
        %dma_wait3A_352 = tpu.memref_slice %arg3[%mul3A_16] : memref<425984xf32, #tpu.memory_space<hbm>> -> memref<3328xf32, #tpu.memory_space<hbm>>
        tpu.wait_dma2 semaphore(%run_scoped3A : memref<!tpu.dma_semaphore, #tpu.memory_space<semaphore_mem>>) src(%dma_wait3A_352 : memref<3328xf32, #tpu.memory_space<hbm>>) dst(%dma_wait3A_351 : memref<3328xf32, #tpu.memory_space<vmem>>)
        tpu.yield
      }) : () -> ()
      %scan3A_17 = arith.constant 0 : i32
      %scan3A_18 = arith.constant 0 : i32
      %scan3A_19 = arith.constant 208 : i32
      %scan3A_20 = arith.addi %scan3A_18, %scan3A_19 : i32
      %scan3A_21 = arith.constant 1 : i32
      scf.for %scan3A_341 = %scan3A_18 to %scan3A_20 step %scan3A_21  : i32 {
        %mul3A_342 = arith.constant 16 : i32
        %mul3A_343 = arith.muli %scan3A_341, %mul3A_342 : i32
        %get3A = arith.index_cast %mul3A_343 : i32 to index
        %get3A_344 = tpu.vector_load %arg6[%get3A] {strides = array<i32>} : memref<3328xi32, #tpu.memory_space<vmem>>, vector<16xi32>,
        %get3A_345 = vector.shape_cast %get3A_344 : vector<16xi32> to vector<16xi32>
        %broadcast_in_dim3A = arith.constant 0 : i32
        %broadcast_in_dim3A_346 = vector.broadcast %broadcast_in_dim3A : i32 to vector<16x1xi32>
        %gather3A = vector.shape_cast %broadcast_in_dim3A_346 : vector<16x1xi32> to vector<16xi32>
        %gather3A_347 = tpu.dynamic_gather %get3A_345[%gather3A] in [0] : vector<16xi32>, vector<16xi32> -> vector<16xi32>
        %add3A_348 = arith.addi %gather3A_347, %mul3A_3 : vector<16xi32>
        %mul3A_349 = arith.constant 16 : i32
        %mul3A_350 = arith.muli %scan3A_341, %mul3A_349 : i32
        %add3A_351 = arith.constant 0 : i32
        %add3A_352 = arith.addi %mul3A_350, %add3A_351 : i32
        %mul3A_353 = arith.constant 16 : i32
        %mul3A_354 = arith.muli %add3A_352, %mul3A_353 : i32
        %swap3A = arith.index_cast %mul3A_354 : i32 to index
        %swap3A_355 = tpu.vector_load %arg7[%swap3A] {strides = array<i32>} : memref<53248xi32, #tpu.memory_space<vmem>>, vector<16xi32>,
        %swap3A_356 = vector.shape_cast %swap3A_355 : vector<16xi32> to vector<16xi32>
        %swap3A_357 = vector.shape_cast %add3A_348 : vector<16xi32> to vector<16xi32>
        tpu.vector_store %arg7[%swap3A], %swap3A_357 {strides = array<i32>} : memref<53248xi32, #tpu.memory_space<vmem>>, vector<16xi32>,
        %broadcast_in_dim3A_358 = arith.constant 1 : i32
        %broadcast_in_dim3A_359 = vector.broadcast %broadcast_in_dim3A_358 : i32 to vector<16x1xi32>
        %gather3A_360 = vector.shape_cast %broadcast_in_dim3A_359 : vector<16x1xi32> to vector<16xi32>
        %gather3A_361 = tpu.dynamic_gather %get3A_345[%gather3A_360] in [0] : vector<16xi32>, vector<16xi32> -> vector<16xi32>
        %add3A_362 = arith.addi %gather3A_361, %mul3A_3 : vector<16xi32>
        %mul3A_363 = arith.constant 16 : i32
        %mul3A_364 = arith.muli %scan3A_341, %mul3A_363 : i32
        %add3A_365 = arith.constant 1 : i32
        %add3A_366 = arith.addi %mul3A_364, %add3A_365 : i32
        %mul3A_367 = arith.constant 16 : i32
        %mul3A_368 = arith.muli %add3A_366, %mul3A_367 : i32
        %swap3A_369 = arith.index_cast %mul3A_368 : i32 to index
        %swap3A_370 = tpu.vector_load %arg7[%swap3A_369] {strides = array<i32>} : memref<53248xi32, #tpu.memory_space<vmem>>, vector<16xi32>,
        %swap3A_371 = vector.shape_cast %swap3A_370 : vector<16xi32> to vector<16xi32>
        %swap3A_372 = vector.shape_cast %add3A_362 : vector<16xi32> to vector<16xi32>
        tpu.vector_store %arg7[%swap3A_369], %swap3A_372 {strides = array<i32>} : memref<53248xi32, #tpu.memory_space<vmem>>, vector<16xi32>,
        %broadcast_in_dim3A_373 = arith.constant 2 : i32
        %broadcast_in_dim3A_374 = vector.broadcast %broadcast_in_dim3A_373 : i32 to vector<16x1xi32>
        %gather3A_375 = vector.shape_cast %broadcast_in_dim3A_374 : vector<16x1xi32> to vector<16xi32>
        %gather3A_376 = tpu.dynamic_gather %get3A_345[%gather3A_375] in [0] : vector<16xi32>, vector<16xi32> -> vector<16xi32>
        %add3A_377 = arith.addi %gather3A_376, %mul3A_3 : vector<16xi32>
        %mul3A_378 = arith.constant 16 : i32
        %mul3A_379 = arith.muli %scan3A_341, %mul3A_378 : i32
        %add3A_380 = arith.constant 2 : i32
        %add3A_381 = arith.addi %mul3A_379, %add3A_380 : i32
        %mul3A_382 = arith.constant 16 : i32
        %mul3A_383 = arith.muli %add3A_381, %mul3A_382 : i32
        %swap3A_384 = arith.index_cast %mul3A_383 : i32 to index
        %swap3A_385 = tpu.vector_load %arg7[%swap3A_384] {strides = array<i32>} : memref<53248xi32, #tpu.memory_space<vmem>>, vector<16xi32>,
        %swap3A_386 = vector.shape_cast %swap3A_385 : vector<16xi32> to vector<16xi32>
        %swap3A_387 = vector.shape_cast %add3A_377 : vector<16xi32> to vector<16xi32>
        tpu.vector_store %arg7[%swap3A_384], %swap3A_387 {strides = array<i32>} : memref<53248xi32, #tpu.memory_space<vmem>>, vector<16xi32>,
        %broadcast_in_dim3A_388 = arith.constant 3 : i32
        %broadcast_in_dim3A_389 = vector.broadcast %broadcast_in_dim3A_388 : i32 to vector<16x1xi32>
        %gather3A_390 = vector.shape_cast %broadcast_in_dim3A_389 : vector<16x1xi32> to vector<16xi32>
        %gather3A_391 = tpu.dynamic_gather %get3A_345[%gather3A_390] in [0] : vector<16xi32>, vector<16xi32> -> vector<16xi32>
        %add3A_392 = arith.addi %gather3A_391, %mul3A_3 : vector<16xi32>
        %mul3A_393 = arith.constant 16 : i32
        %mul3A_394 = arith.muli %scan3A_341, %mul3A_393 : i32
        %add3A_395 = arith.constant 3 : i32
        %add3A_396 = arith.addi %mul3A_394, %add3A_395 : i32
        %mul3A_397 = arith.constant 16 : i32
        %mul3A_398 = arith.muli %add3A_396, %mul3A_397 : i32
        %swap3A_399 = arith.index_cast %mul3A_398 : i32 to index
        %swap3A_400 = tpu.vector_load %arg7[%swap3A_399] {strides = array<i32>} : memref<53248xi32, #tpu.memory_space<vmem>>, vector<16xi32>,
        %swap3A_401 = vector.shape_cast %swap3A_400 : vector<16xi32> to vector<16xi32>
        %swap3A_402 = vector.shape_cast %add3A_392 : vector<16xi32> to vector<16xi32>
        tpu.vector_store %arg7[%swap3A_399], %swap3A_402 {strides = array<i32>} : memref<53248xi32, #tpu.memory_space<vmem>>, vector<16xi32>,
        %broadcast_in_dim3A_403 = arith.constant 4 : i32
        %broadcast_in_dim3A_404 = vector.broadcast %broadcast_in_dim3A_403 : i32 to vector<16x1xi32>
        %gather3A_405 = vector.shape_cast %broadcast_in_dim3A_404 : vector<16x1xi32> to vector<16xi32>
        %gather3A_406 = tpu.dynamic_gather %get3A_345[%gather3A_405] in [0] : vector<16xi32>, vector<16xi32> -> vector<16xi32>
        %add3A_407 = arith.addi %gather3A_406, %mul3A_3 : vector<16xi32>
        %mul3A_408 = arith.constant 16 : i32
        %mul3A_409 = arith.muli %scan3A_341, %mul3A_408 : i32
        %add3A_410 = arith.constant 4 : i32
        %add3A_411 = arith.addi %mul3A_409, %add3A_410 : i32
        %mul3A_412 = arith.constant 16 : i32
        %mul3A_413 = arith.muli %add3A_411, %mul3A_412 : i32
        %swap3A_414 = arith.index_cast %mul3A_413 : i32 to index
        %swap3A_415 = tpu.vector_load %arg7[%swap3A_414] {strides = array<i32>} : memref<53248xi32, #tpu.memory_space<vmem>>, vector<16xi32>,
        %swap3A_416 = vector.shape_cast %swap3A_415 : vector<16xi32> to vector<16xi32>
        %swap3A_417 = vector.shape_cast %add3A_407 : vector<16xi32> to vector<16xi32>
        tpu.vector_store %arg7[%swap3A_414], %swap3A_417 {strides = array<i32>} : memref<53248xi32, #tpu.memory_space<vmem>>, vector<16xi32>,
        %broadcast_in_dim3A_418 = arith.constant 5 : i32
        %broadcast_in_dim3A_419 = vector.broadcast %broadcast_in_dim3A_418 : i32 to vector<16x1xi32>
        %gather3A_420 = vector.shape_cast %broadcast_in_dim3A_419 : vector<16x1xi32> to vector<16xi32>
        %gather3A_421 = tpu.dynamic_gather %get3A_345[%gather3A_420] in [0] : vector<16xi32>, vector<16xi32> -> vector<16xi32>
        %add3A_422 = arith.addi %gather3A_421, %mul3A_3 : vector<16xi32>
        %mul3A_423 = arith.constant 16 : i32
        %mul3A_424 = arith.muli %scan3A_341, %mul3A_423 : i32
        %add3A_425 = arith.constant 5 : i32
        %add3A_426 = arith.addi %mul3A_424, %add3A_425 : i32
        %mul3A_427 = arith.constant 16 : i32
        %mul3A_428 = arith.muli %add3A_426, %mul3A_427 : i32
        %swap3A_429 = arith.index_cast %mul3A_428 : i32 to index
        %swap3A_430 = tpu.vector_load %arg7[%swap3A_429] {strides = array<i32>} : memref<53248xi32, #tpu.memory_space<vmem>>, vector<16xi32>,
        %swap3A_431 = vector.shape_cast %swap3A_430 : vector<16xi32> to vector<16xi32>
        %swap3A_432 = vector.shape_cast %add3A_422 : vector<16xi32> to vector<16xi32>
        tpu.vector_store %arg7[%swap3A_429], %swap3A_432 {strides = array<i32>} : memref<53248xi32, #tpu.memory_space<vmem>>, vector<16xi32>,
        %broadcast_in_dim3A_433 = arith.constant 6 : i32
        %broadcast_in_dim3A_434 = vector.broadcast %broadcast_in_dim3A_433 : i32 to vector<16x1xi32>
        %gather3A_435 = vector.shape_cast %broadcast_in_dim3A_434 : vector<16x1xi32> to vector<16xi32>
        %gather3A_436 = tpu.dynamic_gather %get3A_345[%gather3A_435] in [0] : vector<16xi32>, vector<16xi32> -> vector<16xi32>
        %add3A_437 = arith.addi %gather3A_436, %mul3A_3 : vector<16xi32>
        %mul3A_438 = arith.constant 16 : i32
        %mul3A_439 = arith.muli %scan3A_341, %mul3A_438 : i32
        %add3A_440 = arith.constant 6 : i32
        %add3A_441 = arith.addi %mul3A_439, %add3A_440 : i32
        %mul3A_442 = arith.constant 16 : i32
        %mul3A_443 = arith.muli %add3A_441, %mul3A_442 : i32
        %swap3A_444 = arith.index_cast %mul3A_443 : i32 to index
        %swap3A_445 = tpu.vector_load %arg7[%swap3A_444] {strides = array<i32>} : memref<53248xi32, #tpu.memory_space<vmem>>, vector<16xi32>,
        %swap3A_446 = vector.shape_cast %swap3A_445 : vector<16xi32> to vector<16xi32>
        %swap3A_447 = vector.shape_cast %add3A_437 : vector<16xi32> to vector<16xi32>
        tpu.vector_store %arg7[%swap3A_444], %swap3A_447 {strides = array<i32>} : memref<53248xi32, #tpu.memory_space<vmem>>, vector<16xi32>,
        %broadcast_in_dim3A_448 = arith.constant 7 : i32
        %broadcast_in_dim3A_449 = vector.broadcast %broadcast_in_dim3A_448 : i32 to vector<16x1xi32>
        %gather3A_450 = vector.shape_cast %broadcast_in_dim3A_449 : vector<16x1xi32> to vector<16xi32>
        %gather3A_451 = tpu.dynamic_gather %get3A_345[%gather3A_450] in [0] : vector<16xi32>, vector<16xi32> -> vector<16xi32>
        %add3A_452 = arith.addi %gather3A_451, %mul3A_3 : vector<16xi32>
        %mul3A_453 = arith.constant 16 : i32
        %mul3A_454 = arith.muli %scan3A_341, %mul3A_453 : i32
        %add3A_455 = arith.constant 7 : i32
        %add3A_456 = arith.addi %mul3A_454, %add3A_455 : i32
        %mul3A_457 = arith.constant 16 : i32
        %mul3A_458 = arith.muli %add3A_456, %mul3A_457 : i32
        %swap3A_459 = arith.index_cast %mul3A_458 : i32 to index
        %swap3A_460 = tpu.vector_load %arg7[%swap3A_459] {strides = array<i32>} : memref<53248xi32, #tpu.memory_space<vmem>>, vector<16xi32>,
        %swap3A_461 = vector.shape_cast %swap3A_460 : vector<16xi32> to vector<16xi32>
        %swap3A_462 = vector.shape_cast %add3A_452 : vector<16xi32> to vector<16xi32>
        tpu.vector_store %arg7[%swap3A_459], %swap3A_462 {strides = array<i32>} : memref<53248xi32, #tpu.memory_space<vmem>>, vector<16xi32>,
        %broadcast_in_dim3A_463 = arith.constant 8 : i32
        %broadcast_in_dim3A_464 = vector.broadcast %broadcast_in_dim3A_463 : i32 to vector<16x1xi32>
        %gather3A_465 = vector.shape_cast %broadcast_in_dim3A_464 : vector<16x1xi32> to vector<16xi32>
        %gather3A_466 = tpu.dynamic_gather %get3A_345[%gather3A_465] in [0] : vector<16xi32>, vector<16xi32> -> vector<16xi32>
        %add3A_467 = arith.addi %gather3A_466, %mul3A_3 : vector<16xi32>
        %mul3A_468 = arith.constant 16 : i32
        %mul3A_469 = arith.muli %scan3A_341, %mul3A_468 : i32
        %add3A_470 = arith.constant 8 : i32
        %add3A_471 = arith.addi %mul3A_469, %add3A_470 : i32
        %mul3A_472 = arith.constant 16 : i32
        %mul3A_473 = arith.muli %add3A_471, %mul3A_472 : i32
        %swap3A_474 = arith.index_cast %mul3A_473 : i32 to index
        %swap3A_475 = tpu.vector_load %arg7[%swap3A_474] {strides = array<i32>} : memref<53248xi32, #tpu.memory_space<vmem>>, vector<16xi32>,
        %swap3A_476 = vector.shape_cast %swap3A_475 : vector<16xi32> to vector<16xi32>
        %swap3A_477 = vector.shape_cast %add3A_467 : vector<16xi32> to vector<16xi32>
        tpu.vector_store %arg7[%swap3A_474], %swap3A_477 {strides = array<i32>} : memref<53248xi32, #tpu.memory_space<vmem>>, vector<16xi32>,
        %broadcast_in_dim3A_478 = arith.constant 9 : i32
        %broadcast_in_dim3A_479 = vector.broadcast %broadcast_in_dim3A_478 : i32 to vector<16x1xi32>
        %gather3A_480 = vector.shape_cast %broadcast_in_dim3A_479 : vector<16x1xi32> to vector<16xi32>
        %gather3A_481 = tpu.dynamic_gather %get3A_345[%gather3A_480] in [0] : vector<16xi32>, vector<16xi32> -> vector<16xi32>
        %add3A_482 = arith.addi %gather3A_481, %mul3A_3 : vector<16xi32>
        %mul3A_483 = arith.constant 16 : i32
        %mul3A_484 = arith.muli %scan3A_341, %mul3A_483 : i32
        %add3A_485 = arith.constant 9 : i32
        %add3A_486 = arith.addi %mul3A_484, %add3A_485 : i32
        %mul3A_487 = arith.constant 16 : i32
        %mul3A_488 = arith.muli %add3A_486, %mul3A_487 : i32
        %swap3A_489 = arith.index_cast %mul3A_488 : i32 to index
        %swap3A_490 = tpu.vector_load %arg7[%swap3A_489] {strides = array<i32>} : memref<53248xi32, #tpu.memory_space<vmem>>, vector<16xi32>,
        %swap3A_491 = vector.shape_cast %swap3A_490 : vector<16xi32> to vector<16xi32>
        %swap3A_492 = vector.shape_cast %add3A_482 : vector<16xi32> to vector<16xi32>
        tpu.vector_store %arg7[%swap3A_489], %swap3A_492 {strides = array<i32>} : memref<53248xi32, #tpu.memory_space<vmem>>, vector<16xi32>,
        %broadcast_in_dim3A_493 = arith.constant 10 : i32
        %broadcast_in_dim3A_494 = vector.broadcast %broadcast_in_dim3A_493 : i32 to vector<16x1xi32>
        %gather3A_495 = vector.shape_cast %broadcast_in_dim3A_494 : vector<16x1xi32> to vector<16xi32>
        %gather3A_496 = tpu.dynamic_gather %get3A_345[%gather3A_495] in [0] : vector<16xi32>, vector<16xi32> -> vector<16xi32>
        %add3A_497 = arith.addi %gather3A_496, %mul3A_3 : vector<16xi32>
        %mul3A_498 = arith.constant 16 : i32
        %mul3A_499 = arith.muli %scan3A_341, %mul3A_498 : i32
        %add3A_500 = arith.constant 10 : i32
        %add3A_501 = arith.addi %mul3A_499, %add3A_500 : i32
        %mul3A_502 = arith.constant 16 : i32
        %mul3A_503 = arith.muli %add3A_501, %mul3A_502 : i32
        %swap3A_504 = arith.index_cast %mul3A_503 : i32 to index
        %swap3A_505 = tpu.vector_load %arg7[%swap3A_504] {strides = array<i32>} : memref<53248xi32, #tpu.memory_space<vmem>>, vector<16xi32>,
        %swap3A_506 = vector.shape_cast %swap3A_505 : vector<16xi32> to vector<16xi32>
        %swap3A_507 = vector.shape_cast %add3A_497 : vector<16xi32> to vector<16xi32>
        tpu.vector_store %arg7[%swap3A_504], %swap3A_507 {strides = array<i32>} : memref<53248xi32, #tpu.memory_space<vmem>>, vector<16xi32>,
        %broadcast_in_dim3A_508 = arith.constant 11 : i32
        %broadcast_in_dim3A_509 = vector.broadcast %broadcast_in_dim3A_508 : i32 to vector<16x1xi32>
        %gather3A_510 = vector.shape_cast %broadcast_in_dim3A_509 : vector<16x1xi32> to vector<16xi32>
        %gather3A_511 = tpu.dynamic_gather %get3A_345[%gather3A_510] in [0] : vector<16xi32>, vector<16xi32> -> vector<16xi32>
        %add3A_512 = arith.addi %gather3A_511, %mul3A_3 : vector<16xi32>
        %mul3A_513 = arith.constant 16 : i32
        %mul3A_514 = arith.muli %scan3A_341, %mul3A_513 : i32
        %add3A_515 = arith.constant 11 : i32
        %add3A_516 = arith.addi %mul3A_514, %add3A_515 : i32
        %mul3A_517 = arith.constant 16 : i32
        %mul3A_518 = arith.muli %add3A_516, %mul3A_517 : i32
        %swap3A_519 = arith.index_cast %mul3A_518 : i32 to index
        %swap3A_520 = tpu.vector_load %arg7[%swap3A_519] {strides = array<i32>} : memref<53248xi32, #tpu.memory_space<vmem>>, vector<16xi32>,
        %swap3A_521 = vector.shape_cast %swap3A_520 : vector<16xi32> to vector<16xi32>
        %swap3A_522 = vector.shape_cast %add3A_512 : vector<16xi32> to vector<16xi32>
        tpu.vector_store %arg7[%swap3A_519], %swap3A_522 {strides = array<i32>} : memref<53248xi32, #tpu.memory_space<vmem>>, vector<16xi32>,
        %broadcast_in_dim3A_523 = arith.constant 12 : i32
        %broadcast_in_dim3A_524 = vector.broadcast %broadcast_in_dim3A_523 : i32 to vector<16x1xi32>
        %gather3A_525 = vector.shape_cast %broadcast_in_dim3A_524 : vector<16x1xi32> to vector<16xi32>
        %gather3A_526 = tpu.dynamic_gather %get3A_345[%gather3A_525] in [0] : vector<16xi32>, vector<16xi32> -> vector<16xi32>
        %add3A_527 = arith.addi %gather3A_526, %mul3A_3 : vector<16xi32>
        %mul3A_528 = arith.constant 16 : i32
        %mul3A_529 = arith.muli %scan3A_341, %mul3A_528 : i32
        %add3A_530 = arith.constant 12 : i32
        %add3A_531 = arith.addi %mul3A_529, %add3A_530 : i32
        %mul3A_532 = arith.constant 16 : i32
        %mul3A_533 = arith.muli %add3A_531, %mul3A_532 : i32
        %swap3A_534 = arith.index_cast %mul3A_533 : i32 to index
        %swap3A_535 = tpu.vector_load %arg7[%swap3A_534] {strides = array<i32>} : memref<53248xi32, #tpu.memory_space<vmem>>, vector<16xi32>,
        %swap3A_536 = vector.shape_cast %swap3A_535 : vector<16xi32> to vector<16xi32>
        %swap3A_537 = vector.shape_cast %add3A_527 : vector<16xi32> to vector<16xi32>
        tpu.vector_store %arg7[%swap3A_534], %swap3A_537 {strides = array<i32>} : memref<53248xi32, #tpu.memory_space<vmem>>, vector<16xi32>,
        %broadcast_in_dim3A_538 = arith.constant 13 : i32
        %broadcast_in_dim3A_539 = vector.broadcast %broadcast_in_dim3A_538 : i32 to vector<16x1xi32>
        %gather3A_540 = vector.shape_cast %broadcast_in_dim3A_539 : vector<16x1xi32> to vector<16xi32>
        %gather3A_541 = tpu.dynamic_gather %get3A_345[%gather3A_540] in [0] : vector<16xi32>, vector<16xi32> -> vector<16xi32>
        %add3A_542 = arith.addi %gather3A_541, %mul3A_3 : vector<16xi32>
        %mul3A_543 = arith.constant 16 : i32
        %mul3A_544 = arith.muli %scan3A_341, %mul3A_543 : i32
        %add3A_545 = arith.constant 13 : i32
        %add3A_546 = arith.addi %mul3A_544, %add3A_545 : i32
        %mul3A_547 = arith.constant 16 : i32
        %mul3A_548 = arith.muli %add3A_546, %mul3A_547 : i32
        %swap3A_549 = arith.index_cast %mul3A_548 : i32 to index
        %swap3A_550 = tpu.vector_load %arg7[%swap3A_549] {strides = array<i32>} : memref<53248xi32, #tpu.memory_space<vmem>>, vector<16xi32>,
        %swap3A_551 = vector.shape_cast %swap3A_550 : vector<16xi32> to vector<16xi32>
        %swap3A_552 = vector.shape_cast %add3A_542 : vector<16xi32> to vector<16xi32>
        tpu.vector_store %arg7[%swap3A_549], %swap3A_552 {strides = array<i32>} : memref<53248xi32, #tpu.memory_space<vmem>>, vector<16xi32>,
        %broadcast_in_dim3A_553 = arith.constant 14 : i32
        %broadcast_in_dim3A_554 = vector.broadcast %broadcast_in_dim3A_553 : i32 to vector<16x1xi32>
        %gather3A_555 = vector.shape_cast %broadcast_in_dim3A_554 : vector<16x1xi32> to vector<16xi32>
        %gather3A_556 = tpu.dynamic_gather %get3A_345[%gather3A_555] in [0] : vector<16xi32>, vector<16xi32> -> vector<16xi32>
        %add3A_557 = arith.addi %gather3A_556, %mul3A_3 : vector<16xi32>
        %mul3A_558 = arith.constant 16 : i32
        %mul3A_559 = arith.muli %scan3A_341, %mul3A_558 : i32
        %add3A_560 = arith.constant 14 : i32
        %add3A_561 = arith.addi %mul3A_559, %add3A_560 : i32
        %mul3A_562 = arith.constant 16 : i32
        %mul3A_563 = arith.muli %add3A_561, %mul3A_562 : i32
        %swap3A_564 = arith.index_cast %mul3A_563 : i32 to index
        %swap3A_565 = tpu.vector_load %arg7[%swap3A_564] {strides = array<i32>} : memref<53248xi32, #tpu.memory_space<vmem>>, vector<16xi32>,
        %swap3A_566 = vector.shape_cast %swap3A_565 : vector<16xi32> to vector<16xi32>
        %swap3A_567 = vector.shape_cast %add3A_557 : vector<16xi32> to vector<16xi32>
        tpu.vector_store %arg7[%swap3A_564], %swap3A_567 {strides = array<i32>} : memref<53248xi32, #tpu.memory_space<vmem>>, vector<16xi32>,
        %broadcast_in_dim3A_568 = arith.constant 15 : i32
        %broadcast_in_dim3A_569 = vector.broadcast %broadcast_in_dim3A_568 : i32 to vector<16x1xi32>
        %gather3A_570 = vector.shape_cast %broadcast_in_dim3A_569 : vector<16x1xi32> to vector<16xi32>
        %gather3A_571 = tpu.dynamic_gather %get3A_345[%gather3A_570] in [0] : vector<16xi32>, vector<16xi32> -> vector<16xi32>
        %add3A_572 = arith.addi %gather3A_571, %mul3A_3 : vector<16xi32>
        %mul3A_573 = arith.constant 16 : i32
        %mul3A_574 = arith.muli %scan3A_341, %mul3A_573 : i32
        %add3A_575 = arith.constant 15 : i32
        %add3A_576 = arith.addi %mul3A_574, %add3A_575 : i32
        %mul3A_577 = arith.constant 16 : i32
        %mul3A_578 = arith.muli %add3A_576, %mul3A_577 : i32
        %swap3A_579 = arith.index_cast %mul3A_578 : i32 to index
        %swap3A_580 = tpu.vector_load %arg7[%swap3A_579] {strides = array<i32>} : memref<53248xi32, #tpu.memory_space<vmem>>, vector<16xi32>,
        %swap3A_581 = vector.shape_cast %swap3A_580 : vector<16xi32> to vector<16xi32>
        %swap3A_582 = vector.shape_cast %add3A_572 : vector<16xi32> to vector<16xi32>
        tpu.vector_store %arg7[%swap3A_579], %swap3A_582 {strides = array<i32>} : memref<53248xi32, #tpu.memory_space<vmem>>, vector<16xi32>,
      }
      %scan3A_22 = arith.constant 208 : i32
      %dma_start3A = arith.constant 0 : i32
      %dma_start3A_23 = tpu.memref_slice %arg9[%dma_start3A] : memref<53248xf32, #tpu.memory_space<vmem>> -> memref<2048xf32, #tpu.memory_space<vmem>>
      %dma_start3A_24 = arith.constant 0 : i32
      %dma_start3A_25 = tpu.memref_slice %arg7[%dma_start3A_24] : memref<53248xi32, #tpu.memory_space<vmem>> -> memref<2048xi32, #tpu.memory_space<vmem>>
      %dma_start3A_26 = arith.constant 0 : i32
      %dma_start3A_27 = tpu.memref_slice %arg4[%dma_start3A_26] : memref<41746432xf32, #tpu.memory_space<hbm>> -> memref<41746432xf32, #tpu.memory_space<hbm>>
      tpu.enqueue_indirect_dma source(%dma_start3A_27 : memref<41746432xf32, #tpu.memory_space<hbm>>) target(%dma_start3A_23 : memref<2048xf32, #tpu.memory_space<vmem>>) offsets(%dma_start3A_25 : memref<2048xi32, #tpu.memory_space<vmem>>) semaphore(%arg11 : memref<!tpu.dma_semaphore, #tpu.memory_space<semaphore_mem>>)
      %dma_start3A_28 = arith.constant 2048 : i32
      %dma_start3A_29 = tpu.memref_slice %arg9[%dma_start3A_28] : memref<53248xf32, #tpu.memory_space<vmem>> -> memref<2048xf32, #tpu.memory_space<vmem>>
      %dma_start3A_30 = arith.constant 2048 : i32
      %dma_start3A_31 = tpu.memref_slice %arg7[%dma_start3A_30] : memref<53248xi32, #tpu.memory_space<vmem>> -> memref<2048xi32, #tpu.memory_space<vmem>>
      %dma_start3A_32 = arith.constant 0 : i32
      %dma_start3A_33 = tpu.memref_slice %arg4[%dma_start3A_32] : memref<41746432xf32, #tpu.memory_space<hbm>> -> memref<41746432xf32, #tpu.memory_space<hbm>>
      tpu.enqueue_indirect_dma source(%dma_start3A_33 : memref<41746432xf32, #tpu.memory_space<hbm>>) target(%dma_start3A_29 : memref<2048xf32, #tpu.memory_space<vmem>>) offsets(%dma_start3A_31 : memref<2048xi32, #tpu.memory_space<vmem>>) semaphore(%arg11 : memref<!tpu.dma_semaphore, #tpu.memory_space<semaphore_mem>>)
      %dma_start3A_34 = arith.constant 4096 : i32
      %dma_start3A_35 = tpu.memref_slice %arg9[%dma_start3A_34] : memref<53248xf32, #tpu.memory_space<vmem>> -> memref<2048xf32, #tpu.memory_space<vmem>>
      %dma_start3A_36 = arith.constant 4096 : i32
      %dma_start3A_37 = tpu.memref_slice %arg7[%dma_start3A_36] : memref<53248xi32, #tpu.memory_space<vmem>> -> memref<2048xi32, #tpu.memory_space<vmem>>
      %dma_start3A_38 = arith.constant 0 : i32
      %dma_start3A_39 = tpu.memref_slice %arg4[%dma_start3A_38] : memref<41746432xf32, #tpu.memory_space<hbm>> -> memref<41746432xf32, #tpu.memory_space<hbm>>
      tpu.enqueue_indirect_dma source(%dma_start3A_39 : memref<41746432xf32, #tpu.memory_space<hbm>>) target(%dma_start3A_35 : memref<2048xf32, #tpu.memory_space<vmem>>) offsets(%dma_start3A_37 : memref<2048xi32, #tpu.memory_space<vmem>>) semaphore(%arg11 : memref<!tpu.dma_semaphore, #tpu.memory_space<semaphore_mem>>)
      %dma_start3A_40 = arith.constant 6144 : i32
      %dma_start3A_41 = tpu.memref_slice %arg9[%dma_start3A_40] : memref<53248xf32, #tpu.memory_space<vmem>> -> memref<2048xf32, #tpu.memory_space<vmem>>
      %dma_start3A_42 = arith.constant 6144 : i32
      %dma_start3A_43 = tpu.memref_slice %arg7[%dma_start3A_42] : memref<53248xi32, #tpu.memory_space<vmem>> -> memref<2048xi32, #tpu.memory_space<vmem>>
      %dma_start3A_44 = arith.constant 0 : i32
      %dma_start3A_45 = tpu.memref_slice %arg4[%dma_start3A_44] : memref<41746432xf32, #tpu.memory_space<hbm>> -> memref<41746432xf32, #tpu.memory_space<hbm>>
      tpu.enqueue_indirect_dma source(%dma_start3A_45 : memref<41746432xf32, #tpu.memory_space<hbm>>) target(%dma_start3A_41 : memref<2048xf32, #tpu.memory_space<vmem>>) offsets(%dma_start3A_43 : memref<2048xi32, #tpu.memory_space<vmem>>) semaphore(%arg11 : memref<!tpu.dma_semaphore, #tpu.memory_space<semaphore_mem>>)
      %dma_start3A_46 = arith.constant 8192 : i32
      %dma_start3A_47 = tpu.memref_slice %arg9[%dma_start3A_46] : memref<53248xf32, #tpu.memory_space<vmem>> -> memref<2048xf32, #tpu.memory_space<vmem>>
      %dma_start3A_48 = arith.constant 8192 : i32
      %dma_start3A_49 = tpu.memref_slice %arg7[%dma_start3A_48] : memref<53248xi32, #tpu.memory_space<vmem>> -> memref<2048xi32, #tpu.memory_space<vmem>>
      %dma_start3A_50 = arith.constant 0 : i32
      %dma_start3A_51 = tpu.memref_slice %arg4[%dma_start3A_50] : memref<41746432xf32, #tpu.memory_space<hbm>> -> memref<41746432xf32, #tpu.memory_space<hbm>>
      tpu.enqueue_indirect_dma source(%dma_start3A_51 : memref<41746432xf32, #tpu.memory_space<hbm>>) target(%dma_start3A_47 : memref<2048xf32, #tpu.memory_space<vmem>>) offsets(%dma_start3A_49 : memref<2048xi32, #tpu.memory_space<vmem>>) semaphore(%arg11 : memref<!tpu.dma_semaphore, #tpu.memory_space<semaphore_mem>>)
      %dma_start3A_52 = arith.constant 10240 : i32
      %dma_start3A_53 = tpu.memref_slice %arg9[%dma_start3A_52] : memref<53248xf32, #tpu.memory_space<vmem>> -> memref<2048xf32, #tpu.memory_space<vmem>>
      %dma_start3A_54 = arith.constant 10240 : i32
      %dma_start3A_55 = tpu.memref_slice %arg7[%dma_start3A_54] : memref<53248xi32, #tpu.memory_space<vmem>> -> memref<2048xi32, #tpu.memory_space<vmem>>
      %dma_start3A_56 = arith.constant 0 : i32
      %dma_start3A_57 = tpu.memref_slice %arg4[%dma_start3A_56] : memref<41746432xf32, #tpu.memory_space<hbm>> -> memref<41746432xf32, #tpu.memory_space<hbm>>
      tpu.enqueue_indirect_dma source(%dma_start3A_57 : memref<41746432xf32, #tpu.memory_space<hbm>>) target(%dma_start3A_53 : memref<2048xf32, #tpu.memory_space<vmem>>) offsets(%dma_start3A_55 : memref<2048xi32, #tpu.memory_space<vmem>>) semaphore(%arg11 : memref<!tpu.dma_semaphore, #tpu.memory_space<semaphore_mem>>)
      %dma_start3A_58 = arith.constant 12288 : i32
      %dma_start3A_59 = tpu.memref_slice %arg9[%dma_start3A_58] : memref<53248xf32, #tpu.memory_space<vmem>> -> memref<2048xf32, #tpu.memory_space<vmem>>
      %dma_start3A_60 = arith.constant 12288 : i32
      %dma_start3A_61 = tpu.memref_slice %arg7[%dma_start3A_60] : memref<53248xi32, #tpu.memory_space<vmem>> -> memref<2048xi32, #tpu.memory_space<vmem>>
      %dma_start3A_62 = arith.constant 0 : i32
      %dma_start3A_63 = tpu.memref_slice %arg4[%dma_start3A_62] : memref<41746432xf32, #tpu.memory_space<hbm>> -> memref<41746432xf32, #tpu.memory_space<hbm>>
      tpu.enqueue_indirect_dma source(%dma_start3A_63 : memref<41746432xf32, #tpu.memory_space<hbm>>) target(%dma_start3A_59 : memref<2048xf32, #tpu.memory_space<vmem>>) offsets(%dma_start3A_61 : memref<2048xi32, #tpu.memory_space<vmem>>) semaphore(%arg11 : memref<!tpu.dma_semaphore, #tpu.memory_space<semaphore_mem>>)
      %dma_start3A_64 = arith.constant 14336 : i32
      %dma_start3A_65 = tpu.memref_slice %arg9[%dma_start3A_64] : memref<53248xf32, #tpu.memory_space<vmem>> -> memref<2048xf32, #tpu.memory_space<vmem>>
      %dma_start3A_66 = arith.constant 14336 : i32
      %dma_start3A_67 = tpu.memref_slice %arg7[%dma_start3A_66] : memref<53248xi32, #tpu.memory_space<vmem>> -> memref<2048xi32, #tpu.memory_space<vmem>>
      %dma_start3A_68 = arith.constant 0 : i32
      %dma_start3A_69 = tpu.memref_slice %arg4[%dma_start3A_68] : memref<41746432xf32, #tpu.memory_space<hbm>> -> memref<41746432xf32, #tpu.memory_space<hbm>>
      tpu.enqueue_indirect_dma source(%dma_start3A_69 : memref<41746432xf32, #tpu.memory_space<hbm>>) target(%dma_start3A_65 : memref<2048xf32, #tpu.memory_space<vmem>>) offsets(%dma_start3A_67 : memref<2048xi32, #tpu.memory_space<vmem>>) semaphore(%arg11 : memref<!tpu.dma_semaphore, #tpu.memory_space<semaphore_mem>>)
      %dma_start3A_70 = arith.constant 16384 : i32
      %dma_start3A_71 = tpu.memref_slice %arg9[%dma_start3A_70] : memref<53248xf32, #tpu.memory_space<vmem>> -> memref<2048xf32, #tpu.memory_space<vmem>>
      %dma_start3A_72 = arith.constant 16384 : i32
      %dma_start3A_73 = tpu.memref_slice %arg7[%dma_start3A_72] : memref<53248xi32, #tpu.memory_space<vmem>> -> memref<2048xi32, #tpu.memory_space<vmem>>
      %dma_start3A_74 = arith.constant 0 : i32
      %dma_start3A_75 = tpu.memref_slice %arg4[%dma_start3A_74] : memref<41746432xf32, #tpu.memory_space<hbm>> -> memref<41746432xf32, #tpu.memory_space<hbm>>
      tpu.enqueue_indirect_dma source(%dma_start3A_75 : memref<41746432xf32, #tpu.memory_space<hbm>>) target(%dma_start3A_71 : memref<2048xf32, #tpu.memory_space<vmem>>) offsets(%dma_start3A_73 : memref<2048xi32, #tpu.memory_space<vmem>>) semaphore(%arg11 : memref<!tpu.dma_semaphore, #tpu.memory_space<semaphore_mem>>)
      %dma_start3A_76 = arith.constant 18432 : i32
      %dma_start3A_77 = tpu.memref_slice %arg9[%dma_start3A_76] : memref<53248xf32, #tpu.memory_space<vmem>> -> memref<2048xf32, #tpu.memory_space<vmem>>
      %dma_start3A_78 = arith.constant 18432 : i32
      %dma_start3A_79 = tpu.memref_slice %arg7[%dma_start3A_78] : memref<53248xi32, #tpu.memory_space<vmem>> -> memref<2048xi32, #tpu.memory_space<vmem>>
      %dma_start3A_80 = arith.constant 0 : i32
      %dma_start3A_81 = tpu.memref_slice %arg4[%dma_start3A_80] : memref<41746432xf32, #tpu.memory_space<hbm>> -> memref<41746432xf32, #tpu.memory_space<hbm>>
      tpu.enqueue_indirect_dma source(%dma_start3A_81 : memref<41746432xf32, #tpu.memory_space<hbm>>) target(%dma_start3A_77 : memref<2048xf32, #tpu.memory_space<vmem>>) offsets(%dma_start3A_79 : memref<2048xi32, #tpu.memory_space<vmem>>) semaphore(%arg11 : memref<!tpu.dma_semaphore, #tpu.memory_space<semaphore_mem>>)
      %dma_start3A_82 = arith.constant 20480 : i32
      %dma_start3A_83 = tpu.memref_slice %arg9[%dma_start3A_82] : memref<53248xf32, #tpu.memory_space<vmem>> -> memref<2048xf32, #tpu.memory_space<vmem>>
      %dma_start3A_84 = arith.constant 20480 : i32
      %dma_start3A_85 = tpu.memref_slice %arg7[%dma_start3A_84] : memref<53248xi32, #tpu.memory_space<vmem>> -> memref<2048xi32, #tpu.memory_space<vmem>>
      %dma_start3A_86 = arith.constant 0 : i32
      %dma_start3A_87 = tpu.memref_slice %arg4[%dma_start3A_86] : memref<41746432xf32, #tpu.memory_space<hbm>> -> memref<41746432xf32, #tpu.memory_space<hbm>>
      tpu.enqueue_indirect_dma source(%dma_start3A_87 : memref<41746432xf32, #tpu.memory_space<hbm>>) target(%dma_start3A_83 : memref<2048xf32, #tpu.memory_space<vmem>>) offsets(%dma_start3A_85 : memref<2048xi32, #tpu.memory_space<vmem>>) semaphore(%arg11 : memref<!tpu.dma_semaphore, #tpu.memory_space<semaphore_mem>>)
      %dma_start3A_88 = arith.constant 22528 : i32
      %dma_start3A_89 = tpu.memref_slice %arg9[%dma_start3A_88] : memref<53248xf32, #tpu.memory_space<vmem>> -> memref<2048xf32, #tpu.memory_space<vmem>>
      %dma_start3A_90 = arith.constant 22528 : i32
      %dma_start3A_91 = tpu.memref_slice %arg7[%dma_start3A_90] : memref<53248xi32, #tpu.memory_space<vmem>> -> memref<2048xi32, #tpu.memory_space<vmem>>
      %dma_start3A_92 = arith.constant 0 : i32
      %dma_start3A_93 = tpu.memref_slice %arg4[%dma_start3A_92] : memref<41746432xf32, #tpu.memory_space<hbm>> -> memref<41746432xf32, #tpu.memory_space<hbm>>
      tpu.enqueue_indirect_dma source(%dma_start3A_93 : memref<41746432xf32, #tpu.memory_space<hbm>>) target(%dma_start3A_89 : memref<2048xf32, #tpu.memory_space<vmem>>) offsets(%dma_start3A_91 : memref<2048xi32, #tpu.memory_space<vmem>>) semaphore(%arg11 : memref<!tpu.dma_semaphore, #tpu.memory_space<semaphore_mem>>)
      %dma_start3A_94 = arith.constant 24576 : i32
      %dma_start3A_95 = tpu.memref_slice %arg9[%dma_start3A_94] : memref<53248xf32, #tpu.memory_space<vmem>> -> memref<2048xf32, #tpu.memory_space<vmem>>
      %dma_start3A_96 = arith.constant 24576 : i32
      %dma_start3A_97 = tpu.memref_slice %arg7[%dma_start3A_96] : memref<53248xi32, #tpu.memory_space<vmem>> -> memref<2048xi32, #tpu.memory_space<vmem>>
      %dma_start3A_98 = arith.constant 0 : i32
      %dma_start3A_99 = tpu.memref_slice %arg4[%dma_start3A_98] : memref<41746432xf32, #tpu.memory_space<hbm>> -> memref<41746432xf32, #tpu.memory_space<hbm>>
      tpu.enqueue_indirect_dma source(%dma_start3A_99 : memref<41746432xf32, #tpu.memory_space<hbm>>) target(%dma_start3A_95 : memref<2048xf32, #tpu.memory_space<vmem>>) offsets(%dma_start3A_97 : memref<2048xi32, #tpu.memory_space<vmem>>) semaphore(%arg11 : memref<!tpu.dma_semaphore, #tpu.memory_space<semaphore_mem>>)
      %dma_start3A_100 = arith.constant 26624 : i32
      %dma_start3A_101 = tpu.memref_slice %arg9[%dma_start3A_100] : memref<53248xf32, #tpu.memory_space<vmem>> -> memref<2048xf32, #tpu.memory_space<vmem>>
      %dma_start3A_102 = arith.constant 26624 : i32
      %dma_start3A_103 = tpu.memref_slice %arg7[%dma_start3A_102] : memref<53248xi32, #tpu.memory_space<vmem>> -> memref<2048xi32, #tpu.memory_space<vmem>>
      %dma_start3A_104 = arith.constant 0 : i32
      %dma_start3A_105 = tpu.memref_slice %arg4[%dma_start3A_104] : memref<41746432xf32, #tpu.memory_space<hbm>> -> memref<41746432xf32, #tpu.memory_space<hbm>>
      tpu.enqueue_indirect_dma source(%dma_start3A_105 : memref<41746432xf32, #tpu.memory_space<hbm>>) target(%dma_start3A_101 : memref<2048xf32, #tpu.memory_space<vmem>>) offsets(%dma_start3A_103 : memref<2048xi32, #tpu.memory_space<vmem>>) semaphore(%arg11 : memref<!tpu.dma_semaphore, #tpu.memory_space<semaphore_mem>>)
      %dma_start3A_106 = arith.constant 28672 : i32
      %dma_start3A_107 = tpu.memref_slice %arg9[%dma_start3A_106] : memref<53248xf32, #tpu.memory_space<vmem>> -> memref<2048xf32, #tpu.memory_space<vmem>>
      %dma_start3A_108 = arith.constant 28672 : i32
      %dma_start3A_109 = tpu.memref_slice %arg7[%dma_start3A_108] : memref<53248xi32, #tpu.memory_space<vmem>> -> memref<2048xi32, #tpu.memory_space<vmem>>
      %dma_start3A_110 = arith.constant 0 : i32
      %dma_start3A_111 = tpu.memref_slice %arg4[%dma_start3A_110] : memref<41746432xf32, #tpu.memory_space<hbm>> -> memref<41746432xf32, #tpu.memory_space<hbm>>
      tpu.enqueue_indirect_dma source(%dma_start3A_111 : memref<41746432xf32, #tpu.memory_space<hbm>>) target(%dma_start3A_107 : memref<2048xf32, #tpu.memory_space<vmem>>) offsets(%dma_start3A_109 : memref<2048xi32, #tpu.memory_space<vmem>>) semaphore(%arg11 : memref<!tpu.dma_semaphore, #tpu.memory_space<semaphore_mem>>)
      %dma_start3A_112 = arith.constant 30720 : i32
      %dma_start3A_113 = tpu.memref_slice %arg9[%dma_start3A_112] : memref<53248xf32, #tpu.memory_space<vmem>> -> memref<2048xf32, #tpu.memory_space<vmem>>
      %dma_start3A_114 = arith.constant 30720 : i32
      %dma_start3A_115 = tpu.memref_slice %arg7[%dma_start3A_114] : memref<53248xi32, #tpu.memory_space<vmem>> -> memref<2048xi32, #tpu.memory_space<vmem>>
      %dma_start3A_116 = arith.constant 0 : i32
      %dma_start3A_117 = tpu.memref_slice %arg4[%dma_start3A_116] : memref<41746432xf32, #tpu.memory_space<hbm>> -> memref<41746432xf32, #tpu.memory_space<hbm>>
      tpu.enqueue_indirect_dma source(%dma_start3A_117 : memref<41746432xf32, #tpu.memory_space<hbm>>) target(%dma_start3A_113 : memref<2048xf32, #tpu.memory_space<vmem>>) offsets(%dma_start3A_115 : memref<2048xi32, #tpu.memory_space<vmem>>) semaphore(%arg11 : memref<!tpu.dma_semaphore, #tpu.memory_space<semaphore_mem>>)
      %dma_start3A_118 = arith.constant 32768 : i32
      %dma_start3A_119 = tpu.memref_slice %arg9[%dma_start3A_118] : memref<53248xf32, #tpu.memory_space<vmem>> -> memref<2048xf32, #tpu.memory_space<vmem>>
      %dma_start3A_120 = arith.constant 32768 : i32
      %dma_start3A_121 = tpu.memref_slice %arg7[%dma_start3A_120] : memref<53248xi32, #tpu.memory_space<vmem>> -> memref<2048xi32, #tpu.memory_space<vmem>>
      %dma_start3A_122 = arith.constant 0 : i32
      %dma_start3A_123 = tpu.memref_slice %arg4[%dma_start3A_122] : memref<41746432xf32, #tpu.memory_space<hbm>> -> memref<41746432xf32, #tpu.memory_space<hbm>>
      tpu.enqueue_indirect_dma source(%dma_start3A_123 : memref<41746432xf32, #tpu.memory_space<hbm>>) target(%dma_start3A_119 : memref<2048xf32, #tpu.memory_space<vmem>>) offsets(%dma_start3A_121 : memref<2048xi32, #tpu.memory_space<vmem>>) semaphore(%arg11 : memref<!tpu.dma_semaphore, #tpu.memory_space<semaphore_mem>>)
      %dma_start3A_124 = arith.constant 34816 : i32
      %dma_start3A_125 = tpu.memref_slice %arg9[%dma_start3A_124] : memref<53248xf32, #tpu.memory_space<vmem>> -> memref<2048xf32, #tpu.memory_space<vmem>>
      %dma_start3A_126 = arith.constant 34816 : i32
      %dma_start3A_127 = tpu.memref_slice %arg7[%dma_start3A_126] : memref<53248xi32, #tpu.memory_space<vmem>> -> memref<2048xi32, #tpu.memory_space<vmem>>
      %dma_start3A_128 = arith.constant 0 : i32
      %dma_start3A_129 = tpu.memref_slice %arg4[%dma_start3A_128] : memref<41746432xf32, #tpu.memory_space<hbm>> -> memref<41746432xf32, #tpu.memory_space<hbm>>
      tpu.enqueue_indirect_dma source(%dma_start3A_129 : memref<41746432xf32, #tpu.memory_space<hbm>>) target(%dma_start3A_125 : memref<2048xf32, #tpu.memory_space<vmem>>) offsets(%dma_start3A_127 : memref<2048xi32, #tpu.memory_space<vmem>>) semaphore(%arg11 : memref<!tpu.dma_semaphore, #tpu.memory_space<semaphore_mem>>)
      %dma_start3A_130 = arith.constant 36864 : i32
      %dma_start3A_131 = tpu.memref_slice %arg9[%dma_start3A_130] : memref<53248xf32, #tpu.memory_space<vmem>> -> memref<2048xf32, #tpu.memory_space<vmem>>
      %dma_start3A_132 = arith.constant 36864 : i32
      %dma_start3A_133 = tpu.memref_slice %arg7[%dma_start3A_132] : memref<53248xi32, #tpu.memory_space<vmem>> -> memref<2048xi32, #tpu.memory_space<vmem>>
      %dma_start3A_134 = arith.constant 0 : i32
      %dma_start3A_135 = tpu.memref_slice %arg4[%dma_start3A_134] : memref<41746432xf32, #tpu.memory_space<hbm>> -> memref<41746432xf32, #tpu.memory_space<hbm>>
      tpu.enqueue_indirect_dma source(%dma_start3A_135 : memref<41746432xf32, #tpu.memory_space<hbm>>) target(%dma_start3A_131 : memref<2048xf32, #tpu.memory_space<vmem>>) offsets(%dma_start3A_133 : memref<2048xi32, #tpu.memory_space<vmem>>) semaphore(%arg11 : memref<!tpu.dma_semaphore, #tpu.memory_space<semaphore_mem>>)
      %dma_start3A_136 = arith.constant 38912 : i32
      %dma_start3A_137 = tpu.memref_slice %arg9[%dma_start3A_136] : memref<53248xf32, #tpu.memory_space<vmem>> -> memref<2048xf32, #tpu.memory_space<vmem>>
      %dma_start3A_138 = arith.constant 38912 : i32
      %dma_start3A_139 = tpu.memref_slice %arg7[%dma_start3A_138] : memref<53248xi32, #tpu.memory_space<vmem>> -> memref<2048xi32, #tpu.memory_space<vmem>>
      %dma_start3A_140 = arith.constant 0 : i32
      %dma_start3A_141 = tpu.memref_slice %arg4[%dma_start3A_140] : memref<41746432xf32, #tpu.memory_space<hbm>> -> memref<41746432xf32, #tpu.memory_space<hbm>>
      tpu.enqueue_indirect_dma source(%dma_start3A_141 : memref<41746432xf32, #tpu.memory_space<hbm>>) target(%dma_start3A_137 : memref<2048xf32, #tpu.memory_space<vmem>>) offsets(%dma_start3A_139 : memref<2048xi32, #tpu.memory_space<vmem>>) semaphore(%arg11 : memref<!tpu.dma_semaphore, #tpu.memory_space<semaphore_mem>>)
      %dma_start3A_142 = arith.constant 40960 : i32
      %dma_start3A_143 = tpu.memref_slice %arg9[%dma_start3A_142] : memref<53248xf32, #tpu.memory_space<vmem>> -> memref<2048xf32, #tpu.memory_space<vmem>>
      %dma_start3A_144 = arith.constant 40960 : i32
      %dma_start3A_145 = tpu.memref_slice %arg7[%dma_start3A_144] : memref<53248xi32, #tpu.memory_space<vmem>> -> memref<2048xi32, #tpu.memory_space<vmem>>
      %dma_start3A_146 = arith.constant 0 : i32
      %dma_start3A_147 = tpu.memref_slice %arg4[%dma_start3A_146] : memref<41746432xf32, #tpu.memory_space<hbm>> -> memref<41746432xf32, #tpu.memory_space<hbm>>
      tpu.enqueue_indirect_dma source(%dma_start3A_147 : memref<41746432xf32, #tpu.memory_space<hbm>>) target(%dma_start3A_143 : memref<2048xf32, #tpu.memory_space<vmem>>) offsets(%dma_start3A_145 : memref<2048xi32, #tpu.memory_space<vmem>>) semaphore(%arg11 : memref<!tpu.dma_semaphore, #tpu.memory_space<semaphore_mem>>)
      %dma_start3A_148 = arith.constant 43008 : i32
      %dma_start3A_149 = tpu.memref_slice %arg9[%dma_start3A_148] : memref<53248xf32, #tpu.memory_space<vmem>> -> memref<2048xf32, #tpu.memory_space<vmem>>
      %dma_start3A_150 = arith.constant 43008 : i32
      %dma_start3A_151 = tpu.memref_slice %arg7[%dma_start3A_150] : memref<53248xi32, #tpu.memory_space<vmem>> -> memref<2048xi32, #tpu.memory_space<vmem>>
      %dma_start3A_152 = arith.constant 0 : i32
      %dma_start3A_153 = tpu.memref_slice %arg4[%dma_start3A_152] : memref<41746432xf32, #tpu.memory_space<hbm>> -> memref<41746432xf32, #tpu.memory_space<hbm>>
      tpu.enqueue_indirect_dma source(%dma_start3A_153 : memref<41746432xf32, #tpu.memory_space<hbm>>) target(%dma_start3A_149 : memref<2048xf32, #tpu.memory_space<vmem>>) offsets(%dma_start3A_151 : memref<2048xi32, #tpu.memory_space<vmem>>) semaphore(%arg11 : memref<!tpu.dma_semaphore, #tpu.memory_space<semaphore_mem>>)
      %dma_start3A_154 = arith.constant 45056 : i32
      %dma_start3A_155 = tpu.memref_slice %arg9[%dma_start3A_154] : memref<53248xf32, #tpu.memory_space<vmem>> -> memref<2048xf32, #tpu.memory_space<vmem>>
      %dma_start3A_156 = arith.constant 45056 : i32
      %dma_start3A_157 = tpu.memref_slice %arg7[%dma_start3A_156] : memref<53248xi32, #tpu.memory_space<vmem>> -> memref<2048xi32, #tpu.memory_space<vmem>>
      %dma_start3A_158 = arith.constant 0 : i32
      %dma_start3A_159 = tpu.memref_slice %arg4[%dma_start3A_158] : memref<41746432xf32, #tpu.memory_space<hbm>> -> memref<41746432xf32, #tpu.memory_space<hbm>>
      tpu.enqueue_indirect_dma source(%dma_start3A_159 : memref<41746432xf32, #tpu.memory_space<hbm>>) target(%dma_start3A_155 : memref<2048xf32, #tpu.memory_space<vmem>>) offsets(%dma_start3A_157 : memref<2048xi32, #tpu.memory_space<vmem>>) semaphore(%arg11 : memref<!tpu.dma_semaphore, #tpu.memory_space<semaphore_mem>>)
      %dma_start3A_160 = arith.constant 47104 : i32
      %dma_start3A_161 = tpu.memref_slice %arg9[%dma_start3A_160] : memref<53248xf32, #tpu.memory_space<vmem>> -> memref<2048xf32, #tpu.memory_space<vmem>>
      %dma_start3A_162 = arith.constant 47104 : i32
      %dma_start3A_163 = tpu.memref_slice %arg7[%dma_start3A_162] : memref<53248xi32, #tpu.memory_space<vmem>> -> memref<2048xi32, #tpu.memory_space<vmem>>
      %dma_start3A_164 = arith.constant 0 : i32
      %dma_start3A_165 = tpu.memref_slice %arg4[%dma_start3A_164] : memref<41746432xf32, #tpu.memory_space<hbm>> -> memref<41746432xf32, #tpu.memory_space<hbm>>
      tpu.enqueue_indirect_dma source(%dma_start3A_165 : memref<41746432xf32, #tpu.memory_space<hbm>>) target(%dma_start3A_161 : memref<2048xf32, #tpu.memory_space<vmem>>) offsets(%dma_start3A_163 : memref<2048xi32, #tpu.memory_space<vmem>>) semaphore(%arg11 : memref<!tpu.dma_semaphore, #tpu.memory_space<semaphore_mem>>)
      %dma_start3A_166 = arith.constant 49152 : i32
      %dma_start3A_167 = tpu.memref_slice %arg9[%dma_start3A_166] : memref<53248xf32, #tpu.memory_space<vmem>> -> memref<2048xf32, #tpu.memory_space<vmem>>
      %dma_start3A_168 = arith.constant 49152 : i32
      %dma_start3A_169 = tpu.memref_slice %arg7[%dma_start3A_168] : memref<53248xi32, #tpu.memory_space<vmem>> -> memref<2048xi32, #tpu.memory_space<vmem>>
      %dma_start3A_170 = arith.constant 0 : i32
      %dma_start3A_171 = tpu.memref_slice %arg4[%dma_start3A_170] : memref<41746432xf32, #tpu.memory_space<hbm>> -> memref<41746432xf32, #tpu.memory_space<hbm>>
      tpu.enqueue_indirect_dma source(%dma_start3A_171 : memref<41746432xf32, #tpu.memory_space<hbm>>) target(%dma_start3A_167 : memref<2048xf32, #tpu.memory_space<vmem>>) offsets(%dma_start3A_169 : memref<2048xi32, #tpu.memory_space<vmem>>) semaphore(%arg11 : memref<!tpu.dma_semaphore, #tpu.memory_space<semaphore_mem>>)
      %dma_start3A_172 = arith.constant 51200 : i32
      %dma_start3A_173 = tpu.memref_slice %arg9[%dma_start3A_172] : memref<53248xf32, #tpu.memory_space<vmem>> -> memref<2048xf32, #tpu.memory_space<vmem>>
      %dma_start3A_174 = arith.constant 51200 : i32
      %dma_start3A_175 = tpu.memref_slice %arg7[%dma_start3A_174] : memref<53248xi32, #tpu.memory_space<vmem>> -> memref<2048xi32, #tpu.memory_space<vmem>>
      %dma_start3A_176 = arith.constant 0 : i32
      %dma_start3A_177 = tpu.memref_slice %arg4[%dma_start3A_176] : memref<41746432xf32, #tpu.memory_space<hbm>> -> memref<41746432xf32, #tpu.memory_space<hbm>>
      tpu.enqueue_indirect_dma source(%dma_start3A_177 : memref<41746432xf32, #tpu.memory_space<hbm>>) target(%dma_start3A_173 : memref<2048xf32, #tpu.memory_space<vmem>>) offsets(%dma_start3A_175 : memref<2048xi32, #tpu.memory_space<vmem>>) semaphore(%arg11 : memref<!tpu.dma_semaphore, #tpu.memory_space<semaphore_mem>>)
      %dma_wait3A = arith.constant 0 : i32
      %dma_wait3A_178 = tpu.memref_slice %arg9[%dma_wait3A] : memref<53248xf32, #tpu.memory_space<vmem>> -> memref<2048xf32, #tpu.memory_space<vmem>>
      %dma_wait3A_179 = arith.constant 0 : i32
      %dma_wait3A_180 = tpu.memref_slice %arg7[%dma_wait3A_179] : memref<53248xi32, #tpu.memory_space<vmem>> -> memref<2048xi32, #tpu.memory_space<vmem>>
      %dma_wait3A_181 = arith.constant 0 : i32
      %dma_wait3A_182 = tpu.memref_slice %arg4[%dma_wait3A_181] : memref<41746432xf32, #tpu.memory_space<hbm>> -> memref<41746432xf32, #tpu.memory_space<hbm>>
      tpu.wait_indirect_dma semaphore(%arg11 : memref<!tpu.dma_semaphore, #tpu.memory_space<semaphore_mem>>) src(%dma_wait3A_182 : memref<41746432xf32, #tpu.memory_space<hbm>>) dst(%dma_wait3A_178 : memref<2048xf32, #tpu.memory_space<vmem>>)
      %dma_wait3A_183 = arith.constant 2048 : i32
      %dma_wait3A_184 = tpu.memref_slice %arg9[%dma_wait3A_183] : memref<53248xf32, #tpu.memory_space<vmem>> -> memref<2048xf32, #tpu.memory_space<vmem>>
      %dma_wait3A_185 = arith.constant 2048 : i32
      %dma_wait3A_186 = tpu.memref_slice %arg7[%dma_wait3A_185] : memref<53248xi32, #tpu.memory_space<vmem>> -> memref<2048xi32, #tpu.memory_space<vmem>>
      %dma_wait3A_187 = arith.constant 0 : i32
      %dma_wait3A_188 = tpu.memref_slice %arg4[%dma_wait3A_187] : memref<41746432xf32, #tpu.memory_space<hbm>> -> memref<41746432xf32, #tpu.memory_space<hbm>>
      tpu.wait_indirect_dma semaphore(%arg11 : memref<!tpu.dma_semaphore, #tpu.memory_space<semaphore_mem>>) src(%dma_wait3A_188 : memref<41746432xf32, #tpu.memory_space<hbm>>) dst(%dma_wait3A_184 : memref<2048xf32, #tpu.memory_space<vmem>>)
      %dma_wait3A_189 = arith.constant 4096 : i32
      %dma_wait3A_190 = tpu.memref_slice %arg9[%dma_wait3A_189] : memref<53248xf32, #tpu.memory_space<vmem>> -> memref<2048xf32, #tpu.memory_space<vmem>>
      %dma_wait3A_191 = arith.constant 4096 : i32
      %dma_wait3A_192 = tpu.memref_slice %arg7[%dma_wait3A_191] : memref<53248xi32, #tpu.memory_space<vmem>> -> memref<2048xi32, #tpu.memory_space<vmem>>
      %dma_wait3A_193 = arith.constant 0 : i32
      %dma_wait3A_194 = tpu.memref_slice %arg4[%dma_wait3A_193] : memref<41746432xf32, #tpu.memory_space<hbm>> -> memref<41746432xf32, #tpu.memory_space<hbm>>
      tpu.wait_indirect_dma semaphore(%arg11 : memref<!tpu.dma_semaphore, #tpu.memory_space<semaphore_mem>>) src(%dma_wait3A_194 : memref<41746432xf32, #tpu.memory_space<hbm>>) dst(%dma_wait3A_190 : memref<2048xf32, #tpu.memory_space<vmem>>)
      %dma_wait3A_195 = arith.constant 6144 : i32
      %dma_wait3A_196 = tpu.memref_slice %arg9[%dma_wait3A_195] : memref<53248xf32, #tpu.memory_space<vmem>> -> memref<2048xf32, #tpu.memory_space<vmem>>
      %dma_wait3A_197 = arith.constant 6144 : i32
      %dma_wait3A_198 = tpu.memref_slice %arg7[%dma_wait3A_197] : memref<53248xi32, #tpu.memory_space<vmem>> -> memref<2048xi32, #tpu.memory_space<vmem>>
      %dma_wait3A_199 = arith.constant 0 : i32
      %dma_wait3A_200 = tpu.memref_slice %arg4[%dma_wait3A_199] : memref<41746432xf32, #tpu.memory_space<hbm>> -> memref<41746432xf32, #tpu.memory_space<hbm>>
      tpu.wait_indirect_dma semaphore(%arg11 : memref<!tpu.dma_semaphore, #tpu.memory_space<semaphore_mem>>) src(%dma_wait3A_200 : memref<41746432xf32, #tpu.memory_space<hbm>>) dst(%dma_wait3A_196 : memref<2048xf32, #tpu.memory_space<vmem>>)
      %dma_wait3A_201 = arith.constant 8192 : i32
      %dma_wait3A_202 = tpu.memref_slice %arg9[%dma_wait3A_201] : memref<53248xf32, #tpu.memory_space<vmem>> -> memref<2048xf32, #tpu.memory_space<vmem>>
      %dma_wait3A_203 = arith.constant 8192 : i32
      %dma_wait3A_204 = tpu.memref_slice %arg7[%dma_wait3A_203] : memref<53248xi32, #tpu.memory_space<vmem>> -> memref<2048xi32, #tpu.memory_space<vmem>>
      %dma_wait3A_205 = arith.constant 0 : i32
      %dma_wait3A_206 = tpu.memref_slice %arg4[%dma_wait3A_205] : memref<41746432xf32, #tpu.memory_space<hbm>> -> memref<41746432xf32, #tpu.memory_space<hbm>>
      tpu.wait_indirect_dma semaphore(%arg11 : memref<!tpu.dma_semaphore, #tpu.memory_space<semaphore_mem>>) src(%dma_wait3A_206 : memref<41746432xf32, #tpu.memory_space<hbm>>) dst(%dma_wait3A_202 : memref<2048xf32, #tpu.memory_space<vmem>>)
      %dma_wait3A_207 = arith.constant 10240 : i32
      %dma_wait3A_208 = tpu.memref_slice %arg9[%dma_wait3A_207] : memref<53248xf32, #tpu.memory_space<vmem>> -> memref<2048xf32, #tpu.memory_space<vmem>>
      %dma_wait3A_209 = arith.constant 10240 : i32
      %dma_wait3A_210 = tpu.memref_slice %arg7[%dma_wait3A_209] : memref<53248xi32, #tpu.memory_space<vmem>> -> memref<2048xi32, #tpu.memory_space<vmem>>
      %dma_wait3A_211 = arith.constant 0 : i32
      %dma_wait3A_212 = tpu.memref_slice %arg4[%dma_wait3A_211] : memref<41746432xf32, #tpu.memory_space<hbm>> -> memref<41746432xf32, #tpu.memory_space<hbm>>
      tpu.wait_indirect_dma semaphore(%arg11 : memref<!tpu.dma_semaphore, #tpu.memory_space<semaphore_mem>>) src(%dma_wait3A_212 : memref<41746432xf32, #tpu.memory_space<hbm>>) dst(%dma_wait3A_208 : memref<2048xf32, #tpu.memory_space<vmem>>)
      %dma_wait3A_213 = arith.constant 12288 : i32
      %dma_wait3A_214 = tpu.memref_slice %arg9[%dma_wait3A_213] : memref<53248xf32, #tpu.memory_space<vmem>> -> memref<2048xf32, #tpu.memory_space<vmem>>
      %dma_wait3A_215 = arith.constant 12288 : i32
      %dma_wait3A_216 = tpu.memref_slice %arg7[%dma_wait3A_215] : memref<53248xi32, #tpu.memory_space<vmem>> -> memref<2048xi32, #tpu.memory_space<vmem>>
      %dma_wait3A_217 = arith.constant 0 : i32
      %dma_wait3A_218 = tpu.memref_slice %arg4[%dma_wait3A_217] : memref<41746432xf32, #tpu.memory_space<hbm>> -> memref<41746432xf32, #tpu.memory_space<hbm>>
      tpu.wait_indirect_dma semaphore(%arg11 : memref<!tpu.dma_semaphore, #tpu.memory_space<semaphore_mem>>) src(%dma_wait3A_218 : memref<41746432xf32, #tpu.memory_space<hbm>>) dst(%dma_wait3A_214 : memref<2048xf32, #tpu.memory_space<vmem>>)
      %dma_wait3A_219 = arith.constant 14336 : i32
      %dma_wait3A_220 = tpu.memref_slice %arg9[%dma_wait3A_219] : memref<53248xf32, #tpu.memory_space<vmem>> -> memref<2048xf32, #tpu.memory_space<vmem>>
      %dma_wait3A_221 = arith.constant 14336 : i32
      %dma_wait3A_222 = tpu.memref_slice %arg7[%dma_wait3A_221] : memref<53248xi32, #tpu.memory_space<vmem>> -> memref<2048xi32, #tpu.memory_space<vmem>>
      %dma_wait3A_223 = arith.constant 0 : i32
      %dma_wait3A_224 = tpu.memref_slice %arg4[%dma_wait3A_223] : memref<41746432xf32, #tpu.memory_space<hbm>> -> memref<41746432xf32, #tpu.memory_space<hbm>>
      tpu.wait_indirect_dma semaphore(%arg11 : memref<!tpu.dma_semaphore, #tpu.memory_space<semaphore_mem>>) src(%dma_wait3A_224 : memref<41746432xf32, #tpu.memory_space<hbm>>) dst(%dma_wait3A_220 : memref<2048xf32, #tpu.memory_space<vmem>>)
      %dma_wait3A_225 = arith.constant 16384 : i32
      %dma_wait3A_226 = tpu.memref_slice %arg9[%dma_wait3A_225] : memref<53248xf32, #tpu.memory_space<vmem>> -> memref<2048xf32, #tpu.memory_space<vmem>>
      %dma_wait3A_227 = arith.constant 16384 : i32
      %dma_wait3A_228 = tpu.memref_slice %arg7[%dma_wait3A_227] : memref<53248xi32, #tpu.memory_space<vmem>> -> memref<2048xi32, #tpu.memory_space<vmem>>
      %dma_wait3A_229 = arith.constant 0 : i32
      %dma_wait3A_230 = tpu.memref_slice %arg4[%dma_wait3A_229] : memref<41746432xf32, #tpu.memory_space<hbm>> -> memref<41746432xf32, #tpu.memory_space<hbm>>
      tpu.wait_indirect_dma semaphore(%arg11 : memref<!tpu.dma_semaphore, #tpu.memory_space<semaphore_mem>>) src(%dma_wait3A_230 : memref<41746432xf32, #tpu.memory_space<hbm>>) dst(%dma_wait3A_226 : memref<2048xf32, #tpu.memory_space<vmem>>)
      %dma_wait3A_231 = arith.constant 18432 : i32
      %dma_wait3A_232 = tpu.memref_slice %arg9[%dma_wait3A_231] : memref<53248xf32, #tpu.memory_space<vmem>> -> memref<2048xf32, #tpu.memory_space<vmem>>
      %dma_wait3A_233 = arith.constant 18432 : i32
      %dma_wait3A_234 = tpu.memref_slice %arg7[%dma_wait3A_233] : memref<53248xi32, #tpu.memory_space<vmem>> -> memref<2048xi32, #tpu.memory_space<vmem>>
      %dma_wait3A_235 = arith.constant 0 : i32
      %dma_wait3A_236 = tpu.memref_slice %arg4[%dma_wait3A_235] : memref<41746432xf32, #tpu.memory_space<hbm>> -> memref<41746432xf32, #tpu.memory_space<hbm>>
      tpu.wait_indirect_dma semaphore(%arg11 : memref<!tpu.dma_semaphore, #tpu.memory_space<semaphore_mem>>) src(%dma_wait3A_236 : memref<41746432xf32, #tpu.memory_space<hbm>>) dst(%dma_wait3A_232 : memref<2048xf32, #tpu.memory_space<vmem>>)
      %dma_wait3A_237 = arith.constant 20480 : i32
      %dma_wait3A_238 = tpu.memref_slice %arg9[%dma_wait3A_237] : memref<53248xf32, #tpu.memory_space<vmem>> -> memref<2048xf32, #tpu.memory_space<vmem>>
      %dma_wait3A_239 = arith.constant 20480 : i32
      %dma_wait3A_240 = tpu.memref_slice %arg7[%dma_wait3A_239] : memref<53248xi32, #tpu.memory_space<vmem>> -> memref<2048xi32, #tpu.memory_space<vmem>>
      %dma_wait3A_241 = arith.constant 0 : i32
      %dma_wait3A_242 = tpu.memref_slice %arg4[%dma_wait3A_241] : memref<41746432xf32, #tpu.memory_space<hbm>> -> memref<41746432xf32, #tpu.memory_space<hbm>>
      tpu.wait_indirect_dma semaphore(%arg11 : memref<!tpu.dma_semaphore, #tpu.memory_space<semaphore_mem>>) src(%dma_wait3A_242 : memref<41746432xf32, #tpu.memory_space<hbm>>) dst(%dma_wait3A_238 : memref<2048xf32, #tpu.memory_space<vmem>>)
      %dma_wait3A_243 = arith.constant 22528 : i32
      %dma_wait3A_244 = tpu.memref_slice %arg9[%dma_wait3A_243] : memref<53248xf32, #tpu.memory_space<vmem>> -> memref<2048xf32, #tpu.memory_space<vmem>>
      %dma_wait3A_245 = arith.constant 22528 : i32
      %dma_wait3A_246 = tpu.memref_slice %arg7[%dma_wait3A_245] : memref<53248xi32, #tpu.memory_space<vmem>> -> memref<2048xi32, #tpu.memory_space<vmem>>
      %dma_wait3A_247 = arith.constant 0 : i32
      %dma_wait3A_248 = tpu.memref_slice %arg4[%dma_wait3A_247] : memref<41746432xf32, #tpu.memory_space<hbm>> -> memref<41746432xf32, #tpu.memory_space<hbm>>
      tpu.wait_indirect_dma semaphore(%arg11 : memref<!tpu.dma_semaphore, #tpu.memory_space<semaphore_mem>>) src(%dma_wait3A_248 : memref<41746432xf32, #tpu.memory_space<hbm>>) dst(%dma_wait3A_244 : memref<2048xf32, #tpu.memory_space<vmem>>)
      %dma_wait3A_249 = arith.constant 24576 : i32
      %dma_wait3A_250 = tpu.memref_slice %arg9[%dma_wait3A_249] : memref<53248xf32, #tpu.memory_space<vmem>> -> memref<2048xf32, #tpu.memory_space<vmem>>
      %dma_wait3A_251 = arith.constant 24576 : i32
      %dma_wait3A_252 = tpu.memref_slice %arg7[%dma_wait3A_251] : memref<53248xi32, #tpu.memory_space<vmem>> -> memref<2048xi32, #tpu.memory_space<vmem>>
      %dma_wait3A_253 = arith.constant 0 : i32
      %dma_wait3A_254 = tpu.memref_slice %arg4[%dma_wait3A_253] : memref<41746432xf32, #tpu.memory_space<hbm>> -> memref<41746432xf32, #tpu.memory_space<hbm>>
      tpu.wait_indirect_dma semaphore(%arg11 : memref<!tpu.dma_semaphore, #tpu.memory_space<semaphore_mem>>) src(%dma_wait3A_254 : memref<41746432xf32, #tpu.memory_space<hbm>>) dst(%dma_wait3A_250 : memref<2048xf32, #tpu.memory_space<vmem>>)
      %dma_wait3A_255 = arith.constant 26624 : i32
      %dma_wait3A_256 = tpu.memref_slice %arg9[%dma_wait3A_255] : memref<53248xf32, #tpu.memory_space<vmem>> -> memref<2048xf32, #tpu.memory_space<vmem>>
      %dma_wait3A_257 = arith.constant 26624 : i32
      %dma_wait3A_258 = tpu.memref_slice %arg7[%dma_wait3A_257] : memref<53248xi32, #tpu.memory_space<vmem>> -> memref<2048xi32, #tpu.memory_space<vmem>>
      %dma_wait3A_259 = arith.constant 0 : i32
      %dma_wait3A_260 = tpu.memref_slice %arg4[%dma_wait3A_259] : memref<41746432xf32, #tpu.memory_space<hbm>> -> memref<41746432xf32, #tpu.memory_space<hbm>>
      tpu.wait_indirect_dma semaphore(%arg11 : memref<!tpu.dma_semaphore, #tpu.memory_space<semaphore_mem>>) src(%dma_wait3A_260 : memref<41746432xf32, #tpu.memory_space<hbm>>) dst(%dma_wait3A_256 : memref<2048xf32, #tpu.memory_space<vmem>>)
      %dma_wait3A_261 = arith.constant 28672 : i32
      %dma_wait3A_262 = tpu.memref_slice %arg9[%dma_wait3A_261] : memref<53248xf32, #tpu.memory_space<vmem>> -> memref<2048xf32, #tpu.memory_space<vmem>>
      %dma_wait3A_263 = arith.constant 28672 : i32
      %dma_wait3A_264 = tpu.memref_slice %arg7[%dma_wait3A_263] : memref<53248xi32, #tpu.memory_space<vmem>> -> memref<2048xi32, #tpu.memory_space<vmem>>
      %dma_wait3A_265 = arith.constant 0 : i32
      %dma_wait3A_266 = tpu.memref_slice %arg4[%dma_wait3A_265] : memref<41746432xf32, #tpu.memory_space<hbm>> -> memref<41746432xf32, #tpu.memory_space<hbm>>
      tpu.wait_indirect_dma semaphore(%arg11 : memref<!tpu.dma_semaphore, #tpu.memory_space<semaphore_mem>>) src(%dma_wait3A_266 : memref<41746432xf32, #tpu.memory_space<hbm>>) dst(%dma_wait3A_262 : memref<2048xf32, #tpu.memory_space<vmem>>)
      %dma_wait3A_267 = arith.constant 30720 : i32
      %dma_wait3A_268 = tpu.memref_slice %arg9[%dma_wait3A_267] : memref<53248xf32, #tpu.memory_space<vmem>> -> memref<2048xf32, #tpu.memory_space<vmem>>
      %dma_wait3A_269 = arith.constant 30720 : i32
      %dma_wait3A_270 = tpu.memref_slice %arg7[%dma_wait3A_269] : memref<53248xi32, #tpu.memory_space<vmem>> -> memref<2048xi32, #tpu.memory_space<vmem>>
      %dma_wait3A_271 = arith.constant 0 : i32
      %dma_wait3A_272 = tpu.memref_slice %arg4[%dma_wait3A_271] : memref<41746432xf32, #tpu.memory_space<hbm>> -> memref<41746432xf32, #tpu.memory_space<hbm>>
      tpu.wait_indirect_dma semaphore(%arg11 : memref<!tpu.dma_semaphore, #tpu.memory_space<semaphore_mem>>) src(%dma_wait3A_272 : memref<41746432xf32, #tpu.memory_space<hbm>>) dst(%dma_wait3A_268 : memref<2048xf32, #tpu.memory_space<vmem>>)
      %dma_wait3A_273 = arith.constant 32768 : i32
      %dma_wait3A_274 = tpu.memref_slice %arg9[%dma_wait3A_273] : memref<53248xf32, #tpu.memory_space<vmem>> -> memref<2048xf32, #tpu.memory_space<vmem>>
      %dma_wait3A_275 = arith.constant 32768 : i32
      %dma_wait3A_276 = tpu.memref_slice %arg7[%dma_wait3A_275] : memref<53248xi32, #tpu.memory_space<vmem>> -> memref<2048xi32, #tpu.memory_space<vmem>>
      %dma_wait3A_277 = arith.constant 0 : i32
      %dma_wait3A_278 = tpu.memref_slice %arg4[%dma_wait3A_277] : memref<41746432xf32, #tpu.memory_space<hbm>> -> memref<41746432xf32, #tpu.memory_space<hbm>>
      tpu.wait_indirect_dma semaphore(%arg11 : memref<!tpu.dma_semaphore, #tpu.memory_space<semaphore_mem>>) src(%dma_wait3A_278 : memref<41746432xf32, #tpu.memory_space<hbm>>) dst(%dma_wait3A_274 : memref<2048xf32, #tpu.memory_space<vmem>>)
      %dma_wait3A_279 = arith.constant 34816 : i32
      %dma_wait3A_280 = tpu.memref_slice %arg9[%dma_wait3A_279] : memref<53248xf32, #tpu.memory_space<vmem>> -> memref<2048xf32, #tpu.memory_space<vmem>>
      %dma_wait3A_281 = arith.constant 34816 : i32
      %dma_wait3A_282 = tpu.memref_slice %arg7[%dma_wait3A_281] : memref<53248xi32, #tpu.memory_space<vmem>> -> memref<2048xi32, #tpu.memory_space<vmem>>
      %dma_wait3A_283 = arith.constant 0 : i32
      %dma_wait3A_284 = tpu.memref_slice %arg4[%dma_wait3A_283] : memref<41746432xf32, #tpu.memory_space<hbm>> -> memref<41746432xf32, #tpu.memory_space<hbm>>
      tpu.wait_indirect_dma semaphore(%arg11 : memref<!tpu.dma_semaphore, #tpu.memory_space<semaphore_mem>>) src(%dma_wait3A_284 : memref<41746432xf32, #tpu.memory_space<hbm>>) dst(%dma_wait3A_280 : memref<2048xf32, #tpu.memory_space<vmem>>)
      %dma_wait3A_285 = arith.constant 36864 : i32
      %dma_wait3A_286 = tpu.memref_slice %arg9[%dma_wait3A_285] : memref<53248xf32, #tpu.memory_space<vmem>> -> memref<2048xf32, #tpu.memory_space<vmem>>
      %dma_wait3A_287 = arith.constant 36864 : i32
      %dma_wait3A_288 = tpu.memref_slice %arg7[%dma_wait3A_287] : memref<53248xi32, #tpu.memory_space<vmem>> -> memref<2048xi32, #tpu.memory_space<vmem>>
      %dma_wait3A_289 = arith.constant 0 : i32
      %dma_wait3A_290 = tpu.memref_slice %arg4[%dma_wait3A_289] : memref<41746432xf32, #tpu.memory_space<hbm>> -> memref<41746432xf32, #tpu.memory_space<hbm>>
      tpu.wait_indirect_dma semaphore(%arg11 : memref<!tpu.dma_semaphore, #tpu.memory_space<semaphore_mem>>) src(%dma_wait3A_290 : memref<41746432xf32, #tpu.memory_space<hbm>>) dst(%dma_wait3A_286 : memref<2048xf32, #tpu.memory_space<vmem>>)
      %dma_wait3A_291 = arith.constant 38912 : i32
      %dma_wait3A_292 = tpu.memref_slice %arg9[%dma_wait3A_291] : memref<53248xf32, #tpu.memory_space<vmem>> -> memref<2048xf32, #tpu.memory_space<vmem>>
      %dma_wait3A_293 = arith.constant 38912 : i32
      %dma_wait3A_294 = tpu.memref_slice %arg7[%dma_wait3A_293] : memref<53248xi32, #tpu.memory_space<vmem>> -> memref<2048xi32, #tpu.memory_space<vmem>>
      %dma_wait3A_295 = arith.constant 0 : i32
      %dma_wait3A_296 = tpu.memref_slice %arg4[%dma_wait3A_295] : memref<41746432xf32, #tpu.memory_space<hbm>> -> memref<41746432xf32, #tpu.memory_space<hbm>>
      tpu.wait_indirect_dma semaphore(%arg11 : memref<!tpu.dma_semaphore, #tpu.memory_space<semaphore_mem>>) src(%dma_wait3A_296 : memref<41746432xf32, #tpu.memory_space<hbm>>) dst(%dma_wait3A_292 : memref<2048xf32, #tpu.memory_space<vmem>>)
      %dma_wait3A_297 = arith.constant 40960 : i32
      %dma_wait3A_298 = tpu.memref_slice %arg9[%dma_wait3A_297] : memref<53248xf32, #tpu.memory_space<vmem>> -> memref<2048xf32, #tpu.memory_space<vmem>>
      %dma_wait3A_299 = arith.constant 40960 : i32
      %dma_wait3A_300 = tpu.memref_slice %arg7[%dma_wait3A_299] : memref<53248xi32, #tpu.memory_space<vmem>> -> memref<2048xi32, #tpu.memory_space<vmem>>
      %dma_wait3A_301 = arith.constant 0 : i32
      %dma_wait3A_302 = tpu.memref_slice %arg4[%dma_wait3A_301] : memref<41746432xf32, #tpu.memory_space<hbm>> -> memref<41746432xf32, #tpu.memory_space<hbm>>
      tpu.wait_indirect_dma semaphore(%arg11 : memref<!tpu.dma_semaphore, #tpu.memory_space<semaphore_mem>>) src(%dma_wait3A_302 : memref<41746432xf32, #tpu.memory_space<hbm>>) dst(%dma_wait3A_298 : memref<2048xf32, #tpu.memory_space<vmem>>)
      %dma_wait3A_303 = arith.constant 43008 : i32
      %dma_wait3A_304 = tpu.memref_slice %arg9[%dma_wait3A_303] : memref<53248xf32, #tpu.memory_space<vmem>> -> memref<2048xf32, #tpu.memory_space<vmem>>
      %dma_wait3A_305 = arith.constant 43008 : i32
      %dma_wait3A_306 = tpu.memref_slice %arg7[%dma_wait3A_305] : memref<53248xi32, #tpu.memory_space<vmem>> -> memref<2048xi32, #tpu.memory_space<vmem>>
      %dma_wait3A_307 = arith.constant 0 : i32
      %dma_wait3A_308 = tpu.memref_slice %arg4[%dma_wait3A_307] : memref<41746432xf32, #tpu.memory_space<hbm>> -> memref<41746432xf32, #tpu.memory_space<hbm>>
      tpu.wait_indirect_dma semaphore(%arg11 : memref<!tpu.dma_semaphore, #tpu.memory_space<semaphore_mem>>) src(%dma_wait3A_308 : memref<41746432xf32, #tpu.memory_space<hbm>>) dst(%dma_wait3A_304 : memref<2048xf32, #tpu.memory_space<vmem>>)
      %dma_wait3A_309 = arith.constant 45056 : i32
      %dma_wait3A_310 = tpu.memref_slice %arg9[%dma_wait3A_309] : memref<53248xf32, #tpu.memory_space<vmem>> -> memref<2048xf32, #tpu.memory_space<vmem>>
      %dma_wait3A_311 = arith.constant 45056 : i32
      %dma_wait3A_312 = tpu.memref_slice %arg7[%dma_wait3A_311] : memref<53248xi32, #tpu.memory_space<vmem>> -> memref<2048xi32, #tpu.memory_space<vmem>>
      %dma_wait3A_313 = arith.constant 0 : i32
      %dma_wait3A_314 = tpu.memref_slice %arg4[%dma_wait3A_313] : memref<41746432xf32, #tpu.memory_space<hbm>> -> memref<41746432xf32, #tpu.memory_space<hbm>>
      tpu.wait_indirect_dma semaphore(%arg11 : memref<!tpu.dma_semaphore, #tpu.memory_space<semaphore_mem>>) src(%dma_wait3A_314 : memref<41746432xf32, #tpu.memory_space<hbm>>) dst(%dma_wait3A_310 : memref<2048xf32, #tpu.memory_space<vmem>>)
      %dma_wait3A_315 = arith.constant 47104 : i32
      %dma_wait3A_316 = tpu.memref_slice %arg9[%dma_wait3A_315] : memref<53248xf32, #tpu.memory_space<vmem>> -> memref<2048xf32, #tpu.memory_space<vmem>>
      %dma_wait3A_317 = arith.constant 47104 : i32
      %dma_wait3A_318 = tpu.memref_slice %arg7[%dma_wait3A_317] : memref<53248xi32, #tpu.memory_space<vmem>> -> memref<2048xi32, #tpu.memory_space<vmem>>
      %dma_wait3A_319 = arith.constant 0 : i32
      %dma_wait3A_320 = tpu.memref_slice %arg4[%dma_wait3A_319] : memref<41746432xf32, #tpu.memory_space<hbm>> -> memref<41746432xf32, #tpu.memory_space<hbm>>
      tpu.wait_indirect_dma semaphore(%arg11 : memref<!tpu.dma_semaphore, #tpu.memory_space<semaphore_mem>>) src(%dma_wait3A_320 : memref<41746432xf32, #tpu.memory_space<hbm>>) dst(%dma_wait3A_316 : memref<2048xf32, #tpu.memory_space<vmem>>)
      %dma_wait3A_321 = arith.constant 49152 : i32
      %dma_wait3A_322 = tpu.memref_slice %arg9[%dma_wait3A_321] : memref<53248xf32, #tpu.memory_space<vmem>> -> memref<2048xf32, #tpu.memory_space<vmem>>
      %dma_wait3A_323 = arith.constant 49152 : i32
      %dma_wait3A_324 = tpu.memref_slice %arg7[%dma_wait3A_323] : memref<53248xi32, #tpu.memory_space<vmem>> -> memref<2048xi32, #tpu.memory_space<vmem>>
      %dma_wait3A_325 = arith.constant 0 : i32
      %dma_wait3A_326 = tpu.memref_slice %arg4[%dma_wait3A_325] : memref<41746432xf32, #tpu.memory_space<hbm>> -> memref<41746432xf32, #tpu.memory_space<hbm>>
      tpu.wait_indirect_dma semaphore(%arg11 : memref<!tpu.dma_semaphore, #tpu.memory_space<semaphore_mem>>) src(%dma_wait3A_326 : memref<41746432xf32, #tpu.memory_space<hbm>>) dst(%dma_wait3A_322 : memref<2048xf32, #tpu.memory_space<vmem>>)
      %dma_wait3A_327 = arith.constant 51200 : i32
      %dma_wait3A_328 = tpu.memref_slice %arg9[%dma_wait3A_327] : memref<53248xf32, #tpu.memory_space<vmem>> -> memref<2048xf32, #tpu.memory_space<vmem>>
      %dma_wait3A_329 = arith.constant 51200 : i32
      %dma_wait3A_330 = tpu.memref_slice %arg7[%dma_wait3A_329] : memref<53248xi32, #tpu.memory_space<vmem>> -> memref<2048xi32, #tpu.memory_space<vmem>>
      %dma_wait3A_331 = arith.constant 0 : i32
      %dma_wait3A_332 = tpu.memref_slice %arg4[%dma_wait3A_331] : memref<41746432xf32, #tpu.memory_space<hbm>> -> memref<41746432xf32, #tpu.memory_space<hbm>>
      tpu.wait_indirect_dma semaphore(%arg11 : memref<!tpu.dma_semaphore, #tpu.memory_space<semaphore_mem>>) src(%dma_wait3A_332 : memref<41746432xf32, #tpu.memory_space<hbm>>) dst(%dma_wait3A_328 : memref<2048xf32, #tpu.memory_space<vmem>>)
      %scan3A_333 = arith.constant 0 : i32
      %scan3A_334 = arith.constant 0 : i32
      %scan3A_335 = arith.constant 128 : i32
      %scan3A_336 = arith.addi %scan3A_334, %scan3A_335 : i32
      %scan3A_337 = arith.constant 1 : i32
      scf.for %scan3A_341 = %scan3A_334 to %scan3A_336 step %scan3A_337  : i32 {
        %mul3A_342 = arith.constant 26 : i32
        %mul3A_343 = arith.muli %scan3A_341, %mul3A_342 : i32
        %get3A = arith.index_cast %mul3A_343 : i32 to index
        %get3A_344 = tpu.vector_load %arg8[%get3A] {strides = array<i32>} : memref<3344xf32, #tpu.memory_space<vmem>>, vector<16xf32>,
        %get3A_345 = vector.shape_cast %get3A_344 : vector<16xf32> to vector<16xf32>
        %add3A_346 = arith.constant 16 : i32
        %add3A_347 = arith.addi %mul3A_343, %add3A_346 : i32
        %get3A_348 = arith.index_cast %add3A_347 : i32 to index
        %get3A_349 = tpu.vector_load %arg8[%get3A_348] {strides = array<i32>} : memref<3344xf32, #tpu.memory_space<vmem>>, vector<16xf32>,
        %get3A_350 = vector.shape_cast %get3A_349 : vector<16xf32> to vector<16xf32>
        %broadcast_in_dim3A = arith.constant 0.000000e+00 : f32
        %broadcast_in_dim3A_351 = vector.broadcast %broadcast_in_dim3A : f32 to vector<16xf32>
        %broadcast_in_dim3A_352 = arith.constant 0.000000e+00 : f32
        %broadcast_in_dim3A_353 = vector.broadcast %broadcast_in_dim3A_352 : f32 to vector<16xf32>
        %broadcast_in_dim3A_354 = arith.constant 0 : i32
        %broadcast_in_dim3A_355 = vector.broadcast %broadcast_in_dim3A_354 : i32 to vector<16x1xi32>
        %gather3A = vector.shape_cast %broadcast_in_dim3A_355 : vector<16x1xi32> to vector<16xi32>
        %gather3A_356 = tpu.dynamic_gather %get3A_345[%gather3A] in [0] : vector<16xf32>, vector<16xi32> -> vector<16xf32>
        %add3A_357 = arith.constant 0 : i32
        %add3A_358 = arith.addi %mul3A_343, %add3A_357 : i32
        %mul3A_359 = arith.constant 16 : i32
        %mul3A_360 = arith.muli %add3A_358, %mul3A_359 : i32
        %get3A_361 = arith.index_cast %mul3A_360 : i32 to index
        %get3A_362 = tpu.vector_load %arg9[%get3A_361] {strides = array<i32>} : memref<53248xf32, #tpu.memory_space<vmem>>, vector<16xf32>,
        %get3A_363 = vector.shape_cast %get3A_362 : vector<16xf32> to vector<16xf32>
        %mul3A_364 = arith.mulf %get3A_363, %gather3A_356 : vector<16xf32>
        %add3A_365 = arith.addf %broadcast_in_dim3A_351, %mul3A_364 : vector<16xf32>
        %mul3A_366 = arith.mulf %mul3A_364, %mul3A_364 : vector<16xf32>
        %add3A_367 = arith.addf %broadcast_in_dim3A_353, %mul3A_366 : vector<16xf32>
        %broadcast_in_dim3A_368 = arith.constant 1 : i32
        %broadcast_in_dim3A_369 = vector.broadcast %broadcast_in_dim3A_368 : i32 to vector<16x1xi32>
        %gather3A_370 = vector.shape_cast %broadcast_in_dim3A_369 : vector<16x1xi32> to vector<16xi32>
        %gather3A_371 = tpu.dynamic_gather %get3A_345[%gather3A_370] in [0] : vector<16xf32>, vector<16xi32> -> vector<16xf32>
        %add3A_372 = arith.constant 1 : i32
        %add3A_373 = arith.addi %mul3A_343, %add3A_372 : i32
        %mul3A_374 = arith.constant 16 : i32
        %mul3A_375 = arith.muli %add3A_373, %mul3A_374 : i32
        %get3A_376 = arith.index_cast %mul3A_375 : i32 to index
        %get3A_377 = tpu.vector_load %arg9[%get3A_376] {strides = array<i32>} : memref<53248xf32, #tpu.memory_space<vmem>>, vector<16xf32>,
        %get3A_378 = vector.shape_cast %get3A_377 : vector<16xf32> to vector<16xf32>
        %mul3A_379 = arith.mulf %get3A_378, %gather3A_371 : vector<16xf32>
        %add3A_380 = arith.addf %add3A_365, %mul3A_379 : vector<16xf32>
        %mul3A_381 = arith.mulf %mul3A_379, %mul3A_379 : vector<16xf32>
        %add3A_382 = arith.addf %add3A_367, %mul3A_381 : vector<16xf32>
        %broadcast_in_dim3A_383 = arith.constant 2 : i32
        %broadcast_in_dim3A_384 = vector.broadcast %broadcast_in_dim3A_383 : i32 to vector<16x1xi32>
        %gather3A_385 = vector.shape_cast %broadcast_in_dim3A_384 : vector<16x1xi32> to vector<16xi32>
        %gather3A_386 = tpu.dynamic_gather %get3A_345[%gather3A_385] in [0] : vector<16xf32>, vector<16xi32> -> vector<16xf32>
        %add3A_387 = arith.constant 2 : i32
        %add3A_388 = arith.addi %mul3A_343, %add3A_387 : i32
        %mul3A_389 = arith.constant 16 : i32
        %mul3A_390 = arith.muli %add3A_388, %mul3A_389 : i32
        %get3A_391 = arith.index_cast %mul3A_390 : i32 to index
        %get3A_392 = tpu.vector_load %arg9[%get3A_391] {strides = array<i32>} : memref<53248xf32, #tpu.memory_space<vmem>>, vector<16xf32>,
        %get3A_393 = vector.shape_cast %get3A_392 : vector<16xf32> to vector<16xf32>
        %mul3A_394 = arith.mulf %get3A_393, %gather3A_386 : vector<16xf32>
        %add3A_395 = arith.addf %add3A_380, %mul3A_394 : vector<16xf32>
        %mul3A_396 = arith.mulf %mul3A_394, %mul3A_394 : vector<16xf32>
        %add3A_397 = arith.addf %add3A_382, %mul3A_396 : vector<16xf32>
        %broadcast_in_dim3A_398 = arith.constant 3 : i32
        %broadcast_in_dim3A_399 = vector.broadcast %broadcast_in_dim3A_398 : i32 to vector<16x1xi32>
        %gather3A_400 = vector.shape_cast %broadcast_in_dim3A_399 : vector<16x1xi32> to vector<16xi32>
        %gather3A_401 = tpu.dynamic_gather %get3A_345[%gather3A_400] in [0] : vector<16xf32>, vector<16xi32> -> vector<16xf32>
        %add3A_402 = arith.constant 3 : i32
        %add3A_403 = arith.addi %mul3A_343, %add3A_402 : i32
        %mul3A_404 = arith.constant 16 : i32
        %mul3A_405 = arith.muli %add3A_403, %mul3A_404 : i32
        %get3A_406 = arith.index_cast %mul3A_405 : i32 to index
        %get3A_407 = tpu.vector_load %arg9[%get3A_406] {strides = array<i32>} : memref<53248xf32, #tpu.memory_space<vmem>>, vector<16xf32>,
        %get3A_408 = vector.shape_cast %get3A_407 : vector<16xf32> to vector<16xf32>
        %mul3A_409 = arith.mulf %get3A_408, %gather3A_401 : vector<16xf32>
        %add3A_410 = arith.addf %add3A_395, %mul3A_409 : vector<16xf32>
        %mul3A_411 = arith.mulf %mul3A_409, %mul3A_409 : vector<16xf32>
        %add3A_412 = arith.addf %add3A_397, %mul3A_411 : vector<16xf32>
        %broadcast_in_dim3A_413 = arith.constant 4 : i32
        %broadcast_in_dim3A_414 = vector.broadcast %broadcast_in_dim3A_413 : i32 to vector<16x1xi32>
        %gather3A_415 = vector.shape_cast %broadcast_in_dim3A_414 : vector<16x1xi32> to vector<16xi32>
        %gather3A_416 = tpu.dynamic_gather %get3A_345[%gather3A_415] in [0] : vector<16xf32>, vector<16xi32> -> vector<16xf32>
        %add3A_417 = arith.constant 4 : i32
        %add3A_418 = arith.addi %mul3A_343, %add3A_417 : i32
        %mul3A_419 = arith.constant 16 : i32
        %mul3A_420 = arith.muli %add3A_418, %mul3A_419 : i32
        %get3A_421 = arith.index_cast %mul3A_420 : i32 to index
        %get3A_422 = tpu.vector_load %arg9[%get3A_421] {strides = array<i32>} : memref<53248xf32, #tpu.memory_space<vmem>>, vector<16xf32>,
        %get3A_423 = vector.shape_cast %get3A_422 : vector<16xf32> to vector<16xf32>
        %mul3A_424 = arith.mulf %get3A_423, %gather3A_416 : vector<16xf32>
        %add3A_425 = arith.addf %add3A_410, %mul3A_424 : vector<16xf32>
        %mul3A_426 = arith.mulf %mul3A_424, %mul3A_424 : vector<16xf32>
        %add3A_427 = arith.addf %add3A_412, %mul3A_426 : vector<16xf32>
        %broadcast_in_dim3A_428 = arith.constant 5 : i32
        %broadcast_in_dim3A_429 = vector.broadcast %broadcast_in_dim3A_428 : i32 to vector<16x1xi32>
        %gather3A_430 = vector.shape_cast %broadcast_in_dim3A_429 : vector<16x1xi32> to vector<16xi32>
        %gather3A_431 = tpu.dynamic_gather %get3A_345[%gather3A_430] in [0] : vector<16xf32>, vector<16xi32> -> vector<16xf32>
        %add3A_432 = arith.constant 5 : i32
        %add3A_433 = arith.addi %mul3A_343, %add3A_432 : i32
        %mul3A_434 = arith.constant 16 : i32
        %mul3A_435 = arith.muli %add3A_433, %mul3A_434 : i32
        %get3A_436 = arith.index_cast %mul3A_435 : i32 to index
        %get3A_437 = tpu.vector_load %arg9[%get3A_436] {strides = array<i32>} : memref<53248xf32, #tpu.memory_space<vmem>>, vector<16xf32>,
        %get3A_438 = vector.shape_cast %get3A_437 : vector<16xf32> to vector<16xf32>
        %mul3A_439 = arith.mulf %get3A_438, %gather3A_431 : vector<16xf32>
        %add3A_440 = arith.addf %add3A_425, %mul3A_439 : vector<16xf32>
        %mul3A_441 = arith.mulf %mul3A_439, %mul3A_439 : vector<16xf32>
        %add3A_442 = arith.addf %add3A_427, %mul3A_441 : vector<16xf32>
        %broadcast_in_dim3A_443 = arith.constant 6 : i32
        %broadcast_in_dim3A_444 = vector.broadcast %broadcast_in_dim3A_443 : i32 to vector<16x1xi32>
        %gather3A_445 = vector.shape_cast %broadcast_in_dim3A_444 : vector<16x1xi32> to vector<16xi32>
        %gather3A_446 = tpu.dynamic_gather %get3A_345[%gather3A_445] in [0] : vector<16xf32>, vector<16xi32> -> vector<16xf32>
        %add3A_447 = arith.constant 6 : i32
        %add3A_448 = arith.addi %mul3A_343, %add3A_447 : i32
        %mul3A_449 = arith.constant 16 : i32
        %mul3A_450 = arith.muli %add3A_448, %mul3A_449 : i32
        %get3A_451 = arith.index_cast %mul3A_450 : i32 to index
        %get3A_452 = tpu.vector_load %arg9[%get3A_451] {strides = array<i32>} : memref<53248xf32, #tpu.memory_space<vmem>>, vector<16xf32>,
        %get3A_453 = vector.shape_cast %get3A_452 : vector<16xf32> to vector<16xf32>
        %mul3A_454 = arith.mulf %get3A_453, %gather3A_446 : vector<16xf32>
        %add3A_455 = arith.addf %add3A_440, %mul3A_454 : vector<16xf32>
        %mul3A_456 = arith.mulf %mul3A_454, %mul3A_454 : vector<16xf32>
        %add3A_457 = arith.addf %add3A_442, %mul3A_456 : vector<16xf32>
        %broadcast_in_dim3A_458 = arith.constant 7 : i32
        %broadcast_in_dim3A_459 = vector.broadcast %broadcast_in_dim3A_458 : i32 to vector<16x1xi32>
        %gather3A_460 = vector.shape_cast %broadcast_in_dim3A_459 : vector<16x1xi32> to vector<16xi32>
        %gather3A_461 = tpu.dynamic_gather %get3A_345[%gather3A_460] in [0] : vector<16xf32>, vector<16xi32> -> vector<16xf32>
        %add3A_462 = arith.constant 7 : i32
        %add3A_463 = arith.addi %mul3A_343, %add3A_462 : i32
        %mul3A_464 = arith.constant 16 : i32
        %mul3A_465 = arith.muli %add3A_463, %mul3A_464 : i32
        %get3A_466 = arith.index_cast %mul3A_465 : i32 to index
        %get3A_467 = tpu.vector_load %arg9[%get3A_466] {strides = array<i32>} : memref<53248xf32, #tpu.memory_space<vmem>>, vector<16xf32>,
        %get3A_468 = vector.shape_cast %get3A_467 : vector<16xf32> to vector<16xf32>
        %mul3A_469 = arith.mulf %get3A_468, %gather3A_461 : vector<16xf32>
        %add3A_470 = arith.addf %add3A_455, %mul3A_469 : vector<16xf32>
        %mul3A_471 = arith.mulf %mul3A_469, %mul3A_469 : vector<16xf32>
        %add3A_472 = arith.addf %add3A_457, %mul3A_471 : vector<16xf32>
        %broadcast_in_dim3A_473 = arith.constant 8 : i32
        %broadcast_in_dim3A_474 = vector.broadcast %broadcast_in_dim3A_473 : i32 to vector<16x1xi32>
        %gather3A_475 = vector.shape_cast %broadcast_in_dim3A_474 : vector<16x1xi32> to vector<16xi32>
        %gather3A_476 = tpu.dynamic_gather %get3A_345[%gather3A_475] in [0] : vector<16xf32>, vector<16xi32> -> vector<16xf32>
        %add3A_477 = arith.constant 8 : i32
        %add3A_478 = arith.addi %mul3A_343, %add3A_477 : i32
        %mul3A_479 = arith.constant 16 : i32
        %mul3A_480 = arith.muli %add3A_478, %mul3A_479 : i32
        %get3A_481 = arith.index_cast %mul3A_480 : i32 to index
        %get3A_482 = tpu.vector_load %arg9[%get3A_481] {strides = array<i32>} : memref<53248xf32, #tpu.memory_space<vmem>>, vector<16xf32>,
        %get3A_483 = vector.shape_cast %get3A_482 : vector<16xf32> to vector<16xf32>
        %mul3A_484 = arith.mulf %get3A_483, %gather3A_476 : vector<16xf32>
        %add3A_485 = arith.addf %add3A_470, %mul3A_484 : vector<16xf32>
        %mul3A_486 = arith.mulf %mul3A_484, %mul3A_484 : vector<16xf32>
        %add3A_487 = arith.addf %add3A_472, %mul3A_486 : vector<16xf32>
        %broadcast_in_dim3A_488 = arith.constant 9 : i32
        %broadcast_in_dim3A_489 = vector.broadcast %broadcast_in_dim3A_488 : i32 to vector<16x1xi32>
        %gather3A_490 = vector.shape_cast %broadcast_in_dim3A_489 : vector<16x1xi32> to vector<16xi32>
        %gather3A_491 = tpu.dynamic_gather %get3A_345[%gather3A_490] in [0] : vector<16xf32>, vector<16xi32> -> vector<16xf32>
        %add3A_492 = arith.constant 9 : i32
        %add3A_493 = arith.addi %mul3A_343, %add3A_492 : i32
        %mul3A_494 = arith.constant 16 : i32
        %mul3A_495 = arith.muli %add3A_493, %mul3A_494 : i32
        %get3A_496 = arith.index_cast %mul3A_495 : i32 to index
        %get3A_497 = tpu.vector_load %arg9[%get3A_496] {strides = array<i32>} : memref<53248xf32, #tpu.memory_space<vmem>>, vector<16xf32>,
        %get3A_498 = vector.shape_cast %get3A_497 : vector<16xf32> to vector<16xf32>
        %mul3A_499 = arith.mulf %get3A_498, %gather3A_491 : vector<16xf32>
        %add3A_500 = arith.addf %add3A_485, %mul3A_499 : vector<16xf32>
        %mul3A_501 = arith.mulf %mul3A_499, %mul3A_499 : vector<16xf32>
        %add3A_502 = arith.addf %add3A_487, %mul3A_501 : vector<16xf32>
        %broadcast_in_dim3A_503 = arith.constant 10 : i32
        %broadcast_in_dim3A_504 = vector.broadcast %broadcast_in_dim3A_503 : i32 to vector<16x1xi32>
        %gather3A_505 = vector.shape_cast %broadcast_in_dim3A_504 : vector<16x1xi32> to vector<16xi32>
        %gather3A_506 = tpu.dynamic_gather %get3A_345[%gather3A_505] in [0] : vector<16xf32>, vector<16xi32> -> vector<16xf32>
        %add3A_507 = arith.constant 10 : i32
        %add3A_508 = arith.addi %mul3A_343, %add3A_507 : i32
        %mul3A_509 = arith.constant 16 : i32
        %mul3A_510 = arith.muli %add3A_508, %mul3A_509 : i32
        %get3A_511 = arith.index_cast %mul3A_510 : i32 to index
        %get3A_512 = tpu.vector_load %arg9[%get3A_511] {strides = array<i32>} : memref<53248xf32, #tpu.memory_space<vmem>>, vector<16xf32>,
        %get3A_513 = vector.shape_cast %get3A_512 : vector<16xf32> to vector<16xf32>
        %mul3A_514 = arith.mulf %get3A_513, %gather3A_506 : vector<16xf32>
        %add3A_515 = arith.addf %add3A_500, %mul3A_514 : vector<16xf32>
        %mul3A_516 = arith.mulf %mul3A_514, %mul3A_514 : vector<16xf32>
        %add3A_517 = arith.addf %add3A_502, %mul3A_516 : vector<16xf32>
        %broadcast_in_dim3A_518 = arith.constant 11 : i32
        %broadcast_in_dim3A_519 = vector.broadcast %broadcast_in_dim3A_518 : i32 to vector<16x1xi32>
        %gather3A_520 = vector.shape_cast %broadcast_in_dim3A_519 : vector<16x1xi32> to vector<16xi32>
        %gather3A_521 = tpu.dynamic_gather %get3A_345[%gather3A_520] in [0] : vector<16xf32>, vector<16xi32> -> vector<16xf32>
        %add3A_522 = arith.constant 11 : i32
        %add3A_523 = arith.addi %mul3A_343, %add3A_522 : i32
        %mul3A_524 = arith.constant 16 : i32
        %mul3A_525 = arith.muli %add3A_523, %mul3A_524 : i32
        %get3A_526 = arith.index_cast %mul3A_525 : i32 to index
        %get3A_527 = tpu.vector_load %arg9[%get3A_526] {strides = array<i32>} : memref<53248xf32, #tpu.memory_space<vmem>>, vector<16xf32>,
        %get3A_528 = vector.shape_cast %get3A_527 : vector<16xf32> to vector<16xf32>
        %mul3A_529 = arith.mulf %get3A_528, %gather3A_521 : vector<16xf32>
        %add3A_530 = arith.addf %add3A_515, %mul3A_529 : vector<16xf32>
        %mul3A_531 = arith.mulf %mul3A_529, %mul3A_529 : vector<16xf32>
        %add3A_532 = arith.addf %add3A_517, %mul3A_531 : vector<16xf32>
        %broadcast_in_dim3A_533 = arith.constant 12 : i32
        %broadcast_in_dim3A_534 = vector.broadcast %broadcast_in_dim3A_533 : i32 to vector<16x1xi32>
        %gather3A_535 = vector.shape_cast %broadcast_in_dim3A_534 : vector<16x1xi32> to vector<16xi32>
        %gather3A_536 = tpu.dynamic_gather %get3A_345[%gather3A_535] in [0] : vector<16xf32>, vector<16xi32> -> vector<16xf32>
        %add3A_537 = arith.constant 12 : i32
        %add3A_538 = arith.addi %mul3A_343, %add3A_537 : i32
        %mul3A_539 = arith.constant 16 : i32
        %mul3A_540 = arith.muli %add3A_538, %mul3A_539 : i32
        %get3A_541 = arith.index_cast %mul3A_540 : i32 to index
        %get3A_542 = tpu.vector_load %arg9[%get3A_541] {strides = array<i32>} : memref<53248xf32, #tpu.memory_space<vmem>>, vector<16xf32>,
        %get3A_543 = vector.shape_cast %get3A_542 : vector<16xf32> to vector<16xf32>
        %mul3A_544 = arith.mulf %get3A_543, %gather3A_536 : vector<16xf32>
        %add3A_545 = arith.addf %add3A_530, %mul3A_544 : vector<16xf32>
        %mul3A_546 = arith.mulf %mul3A_544, %mul3A_544 : vector<16xf32>
        %add3A_547 = arith.addf %add3A_532, %mul3A_546 : vector<16xf32>
        %broadcast_in_dim3A_548 = arith.constant 13 : i32
        %broadcast_in_dim3A_549 = vector.broadcast %broadcast_in_dim3A_548 : i32 to vector<16x1xi32>
        %gather3A_550 = vector.shape_cast %broadcast_in_dim3A_549 : vector<16x1xi32> to vector<16xi32>
        %gather3A_551 = tpu.dynamic_gather %get3A_345[%gather3A_550] in [0] : vector<16xf32>, vector<16xi32> -> vector<16xf32>
        %add3A_552 = arith.constant 13 : i32
        %add3A_553 = arith.addi %mul3A_343, %add3A_552 : i32
        %mul3A_554 = arith.constant 16 : i32
        %mul3A_555 = arith.muli %add3A_553, %mul3A_554 : i32
        %get3A_556 = arith.index_cast %mul3A_555 : i32 to index
        %get3A_557 = tpu.vector_load %arg9[%get3A_556] {strides = array<i32>} : memref<53248xf32, #tpu.memory_space<vmem>>, vector<16xf32>,
        %get3A_558 = vector.shape_cast %get3A_557 : vector<16xf32> to vector<16xf32>
        %mul3A_559 = arith.mulf %get3A_558, %gather3A_551 : vector<16xf32>
        %add3A_560 = arith.addf %add3A_545, %mul3A_559 : vector<16xf32>
        %mul3A_561 = arith.mulf %mul3A_559, %mul3A_559 : vector<16xf32>
        %add3A_562 = arith.addf %add3A_547, %mul3A_561 : vector<16xf32>
        %broadcast_in_dim3A_563 = arith.constant 14 : i32
        %broadcast_in_dim3A_564 = vector.broadcast %broadcast_in_dim3A_563 : i32 to vector<16x1xi32>
        %gather3A_565 = vector.shape_cast %broadcast_in_dim3A_564 : vector<16x1xi32> to vector<16xi32>
        %gather3A_566 = tpu.dynamic_gather %get3A_345[%gather3A_565] in [0] : vector<16xf32>, vector<16xi32> -> vector<16xf32>
        %add3A_567 = arith.constant 14 : i32
        %add3A_568 = arith.addi %mul3A_343, %add3A_567 : i32
        %mul3A_569 = arith.constant 16 : i32
        %mul3A_570 = arith.muli %add3A_568, %mul3A_569 : i32
        %get3A_571 = arith.index_cast %mul3A_570 : i32 to index
        %get3A_572 = tpu.vector_load %arg9[%get3A_571] {strides = array<i32>} : memref<53248xf32, #tpu.memory_space<vmem>>, vector<16xf32>,
        %get3A_573 = vector.shape_cast %get3A_572 : vector<16xf32> to vector<16xf32>
        %mul3A_574 = arith.mulf %get3A_573, %gather3A_566 : vector<16xf32>
        %add3A_575 = arith.addf %add3A_560, %mul3A_574 : vector<16xf32>
        %mul3A_576 = arith.mulf %mul3A_574, %mul3A_574 : vector<16xf32>
        %add3A_577 = arith.addf %add3A_562, %mul3A_576 : vector<16xf32>
        %broadcast_in_dim3A_578 = arith.constant 15 : i32
        %broadcast_in_dim3A_579 = vector.broadcast %broadcast_in_dim3A_578 : i32 to vector<16x1xi32>
        %gather3A_580 = vector.shape_cast %broadcast_in_dim3A_579 : vector<16x1xi32> to vector<16xi32>
        %gather3A_581 = tpu.dynamic_gather %get3A_345[%gather3A_580] in [0] : vector<16xf32>, vector<16xi32> -> vector<16xf32>
        %add3A_582 = arith.constant 15 : i32
        %add3A_583 = arith.addi %mul3A_343, %add3A_582 : i32
        %mul3A_584 = arith.constant 16 : i32
        %mul3A_585 = arith.muli %add3A_583, %mul3A_584 : i32
        %get3A_586 = arith.index_cast %mul3A_585 : i32 to index
        %get3A_587 = tpu.vector_load %arg9[%get3A_586] {strides = array<i32>} : memref<53248xf32, #tpu.memory_space<vmem>>, vector<16xf32>,
        %get3A_588 = vector.shape_cast %get3A_587 : vector<16xf32> to vector<16xf32>
        %mul3A_589 = arith.mulf %get3A_588, %gather3A_581 : vector<16xf32>
        %add3A_590 = arith.addf %add3A_575, %mul3A_589 : vector<16xf32>
        %mul3A_591 = arith.mulf %mul3A_589, %mul3A_589 : vector<16xf32>
        %add3A_592 = arith.addf %add3A_577, %mul3A_591 : vector<16xf32>
        %broadcast_in_dim3A_593 = arith.constant 0 : i32
        %broadcast_in_dim3A_594 = vector.broadcast %broadcast_in_dim3A_593 : i32 to vector<16x1xi32>
        %gather3A_595 = vector.shape_cast %broadcast_in_dim3A_594 : vector<16x1xi32> to vector<16xi32>
        %gather3A_596 = tpu.dynamic_gather %get3A_350[%gather3A_595] in [0] : vector<16xf32>, vector<16xi32> -> vector<16xf32>
        %add3A_597 = arith.constant 16 : i32
        %add3A_598 = arith.addi %mul3A_343, %add3A_597 : i32
        %mul3A_599 = arith.constant 16 : i32
        %mul3A_600 = arith.muli %add3A_598, %mul3A_599 : i32
        %get3A_601 = arith.index_cast %mul3A_600 : i32 to index
        %get3A_602 = tpu.vector_load %arg9[%get3A_601] {strides = array<i32>} : memref<53248xf32, #tpu.memory_space<vmem>>, vector<16xf32>,
        %get3A_603 = vector.shape_cast %get3A_602 : vector<16xf32> to vector<16xf32>
        %mul3A_604 = arith.mulf %get3A_603, %gather3A_596 : vector<16xf32>
        %add3A_605 = arith.addf %add3A_590, %mul3A_604 : vector<16xf32>
        %mul3A_606 = arith.mulf %mul3A_604, %mul3A_604 : vector<16xf32>
        %add3A_607 = arith.addf %add3A_592, %mul3A_606 : vector<16xf32>
        %broadcast_in_dim3A_608 = arith.constant 1 : i32
        %broadcast_in_dim3A_609 = vector.broadcast %broadcast_in_dim3A_608 : i32 to vector<16x1xi32>
        %gather3A_610 = vector.shape_cast %broadcast_in_dim3A_609 : vector<16x1xi32> to vector<16xi32>
        %gather3A_611 = tpu.dynamic_gather %get3A_350[%gather3A_610] in [0] : vector<16xf32>, vector<16xi32> -> vector<16xf32>
        %add3A_612 = arith.constant 17 : i32
        %add3A_613 = arith.addi %mul3A_343, %add3A_612 : i32
        %mul3A_614 = arith.constant 16 : i32
        %mul3A_615 = arith.muli %add3A_613, %mul3A_614 : i32
        %get3A_616 = arith.index_cast %mul3A_615 : i32 to index
        %get3A_617 = tpu.vector_load %arg9[%get3A_616] {strides = array<i32>} : memref<53248xf32, #tpu.memory_space<vmem>>, vector<16xf32>,
        %get3A_618 = vector.shape_cast %get3A_617 : vector<16xf32> to vector<16xf32>
        %mul3A_619 = arith.mulf %get3A_618, %gather3A_611 : vector<16xf32>
        %add3A_620 = arith.addf %add3A_605, %mul3A_619 : vector<16xf32>
        %mul3A_621 = arith.mulf %mul3A_619, %mul3A_619 : vector<16xf32>
        %add3A_622 = arith.addf %add3A_607, %mul3A_621 : vector<16xf32>
        %broadcast_in_dim3A_623 = arith.constant 2 : i32
        %broadcast_in_dim3A_624 = vector.broadcast %broadcast_in_dim3A_623 : i32 to vector<16x1xi32>
        %gather3A_625 = vector.shape_cast %broadcast_in_dim3A_624 : vector<16x1xi32> to vector<16xi32>
        %gather3A_626 = tpu.dynamic_gather %get3A_350[%gather3A_625] in [0] : vector<16xf32>, vector<16xi32> -> vector<16xf32>
        %add3A_627 = arith.constant 18 : i32
        %add3A_628 = arith.addi %mul3A_343, %add3A_627 : i32
        %mul3A_629 = arith.constant 16 : i32
        %mul3A_630 = arith.muli %add3A_628, %mul3A_629 : i32
        %get3A_631 = arith.index_cast %mul3A_630 : i32 to index
        %get3A_632 = tpu.vector_load %arg9[%get3A_631] {strides = array<i32>} : memref<53248xf32, #tpu.memory_space<vmem>>, vector<16xf32>,
        %get3A_633 = vector.shape_cast %get3A_632 : vector<16xf32> to vector<16xf32>
        %mul3A_634 = arith.mulf %get3A_633, %gather3A_626 : vector<16xf32>
        %add3A_635 = arith.addf %add3A_620, %mul3A_634 : vector<16xf32>
        %mul3A_636 = arith.mulf %mul3A_634, %mul3A_634 : vector<16xf32>
        %add3A_637 = arith.addf %add3A_622, %mul3A_636 : vector<16xf32>
        %broadcast_in_dim3A_638 = arith.constant 3 : i32
        %broadcast_in_dim3A_639 = vector.broadcast %broadcast_in_dim3A_638 : i32 to vector<16x1xi32>
        %gather3A_640 = vector.shape_cast %broadcast_in_dim3A_639 : vector<16x1xi32> to vector<16xi32>
        %gather3A_641 = tpu.dynamic_gather %get3A_350[%gather3A_640] in [0] : vector<16xf32>, vector<16xi32> -> vector<16xf32>
        %add3A_642 = arith.constant 19 : i32
        %add3A_643 = arith.addi %mul3A_343, %add3A_642 : i32
        %mul3A_644 = arith.constant 16 : i32
        %mul3A_645 = arith.muli %add3A_643, %mul3A_644 : i32
        %get3A_646 = arith.index_cast %mul3A_645 : i32 to index
        %get3A_647 = tpu.vector_load %arg9[%get3A_646] {strides = array<i32>} : memref<53248xf32, #tpu.memory_space<vmem>>, vector<16xf32>,
        %get3A_648 = vector.shape_cast %get3A_647 : vector<16xf32> to vector<16xf32>
        %mul3A_649 = arith.mulf %get3A_648, %gather3A_641 : vector<16xf32>
        %add3A_650 = arith.addf %add3A_635, %mul3A_649 : vector<16xf32>
        %mul3A_651 = arith.mulf %mul3A_649, %mul3A_649 : vector<16xf32>
        %add3A_652 = arith.addf %add3A_637, %mul3A_651 : vector<16xf32>
        %broadcast_in_dim3A_653 = arith.constant 4 : i32
        %broadcast_in_dim3A_654 = vector.broadcast %broadcast_in_dim3A_653 : i32 to vector<16x1xi32>
        %gather3A_655 = vector.shape_cast %broadcast_in_dim3A_654 : vector<16x1xi32> to vector<16xi32>
        %gather3A_656 = tpu.dynamic_gather %get3A_350[%gather3A_655] in [0] : vector<16xf32>, vector<16xi32> -> vector<16xf32>
        %add3A_657 = arith.constant 20 : i32
        %add3A_658 = arith.addi %mul3A_343, %add3A_657 : i32
        %mul3A_659 = arith.constant 16 : i32
        %mul3A_660 = arith.muli %add3A_658, %mul3A_659 : i32
        %get3A_661 = arith.index_cast %mul3A_660 : i32 to index
        %get3A_662 = tpu.vector_load %arg9[%get3A_661] {strides = array<i32>} : memref<53248xf32, #tpu.memory_space<vmem>>, vector<16xf32>,
        %get3A_663 = vector.shape_cast %get3A_662 : vector<16xf32> to vector<16xf32>
        %mul3A_664 = arith.mulf %get3A_663, %gather3A_656 : vector<16xf32>
        %add3A_665 = arith.addf %add3A_650, %mul3A_664 : vector<16xf32>
        %mul3A_666 = arith.mulf %mul3A_664, %mul3A_664 : vector<16xf32>
        %add3A_667 = arith.addf %add3A_652, %mul3A_666 : vector<16xf32>
        %broadcast_in_dim3A_668 = arith.constant 5 : i32
        %broadcast_in_dim3A_669 = vector.broadcast %broadcast_in_dim3A_668 : i32 to vector<16x1xi32>
        %gather3A_670 = vector.shape_cast %broadcast_in_dim3A_669 : vector<16x1xi32> to vector<16xi32>
        %gather3A_671 = tpu.dynamic_gather %get3A_350[%gather3A_670] in [0] : vector<16xf32>, vector<16xi32> -> vector<16xf32>
        %add3A_672 = arith.constant 21 : i32
        %add3A_673 = arith.addi %mul3A_343, %add3A_672 : i32
        %mul3A_674 = arith.constant 16 : i32
        %mul3A_675 = arith.muli %add3A_673, %mul3A_674 : i32
        %get3A_676 = arith.index_cast %mul3A_675 : i32 to index
        %get3A_677 = tpu.vector_load %arg9[%get3A_676] {strides = array<i32>} : memref<53248xf32, #tpu.memory_space<vmem>>, vector<16xf32>,
        %get3A_678 = vector.shape_cast %get3A_677 : vector<16xf32> to vector<16xf32>
        %mul3A_679 = arith.mulf %get3A_678, %gather3A_671 : vector<16xf32>
        %add3A_680 = arith.addf %add3A_665, %mul3A_679 : vector<16xf32>
        %mul3A_681 = arith.mulf %mul3A_679, %mul3A_679 : vector<16xf32>
        %add3A_682 = arith.addf %add3A_667, %mul3A_681 : vector<16xf32>
        %broadcast_in_dim3A_683 = arith.constant 6 : i32
        %broadcast_in_dim3A_684 = vector.broadcast %broadcast_in_dim3A_683 : i32 to vector<16x1xi32>
        %gather3A_685 = vector.shape_cast %broadcast_in_dim3A_684 : vector<16x1xi32> to vector<16xi32>
        %gather3A_686 = tpu.dynamic_gather %get3A_350[%gather3A_685] in [0] : vector<16xf32>, vector<16xi32> -> vector<16xf32>
        %add3A_687 = arith.constant 22 : i32
        %add3A_688 = arith.addi %mul3A_343, %add3A_687 : i32
        %mul3A_689 = arith.constant 16 : i32
        %mul3A_690 = arith.muli %add3A_688, %mul3A_689 : i32
        %get3A_691 = arith.index_cast %mul3A_690 : i32 to index
        %get3A_692 = tpu.vector_load %arg9[%get3A_691] {strides = array<i32>} : memref<53248xf32, #tpu.memory_space<vmem>>, vector<16xf32>,
        %get3A_693 = vector.shape_cast %get3A_692 : vector<16xf32> to vector<16xf32>
        %mul3A_694 = arith.mulf %get3A_693, %gather3A_686 : vector<16xf32>
        %add3A_695 = arith.addf %add3A_680, %mul3A_694 : vector<16xf32>
        %mul3A_696 = arith.mulf %mul3A_694, %mul3A_694 : vector<16xf32>
        %add3A_697 = arith.addf %add3A_682, %mul3A_696 : vector<16xf32>
        %broadcast_in_dim3A_698 = arith.constant 7 : i32
        %broadcast_in_dim3A_699 = vector.broadcast %broadcast_in_dim3A_698 : i32 to vector<16x1xi32>
        %gather3A_700 = vector.shape_cast %broadcast_in_dim3A_699 : vector<16x1xi32> to vector<16xi32>
        %gather3A_701 = tpu.dynamic_gather %get3A_350[%gather3A_700] in [0] : vector<16xf32>, vector<16xi32> -> vector<16xf32>
        %add3A_702 = arith.constant 23 : i32
        %add3A_703 = arith.addi %mul3A_343, %add3A_702 : i32
        %mul3A_704 = arith.constant 16 : i32
        %mul3A_705 = arith.muli %add3A_703, %mul3A_704 : i32
        %get3A_706 = arith.index_cast %mul3A_705 : i32 to index
        %get3A_707 = tpu.vector_load %arg9[%get3A_706] {strides = array<i32>} : memref<53248xf32, #tpu.memory_space<vmem>>, vector<16xf32>,
        %get3A_708 = vector.shape_cast %get3A_707 : vector<16xf32> to vector<16xf32>
        %mul3A_709 = arith.mulf %get3A_708, %gather3A_701 : vector<16xf32>
        %add3A_710 = arith.addf %add3A_695, %mul3A_709 : vector<16xf32>
        %mul3A_711 = arith.mulf %mul3A_709, %mul3A_709 : vector<16xf32>
        %add3A_712 = arith.addf %add3A_697, %mul3A_711 : vector<16xf32>
        %broadcast_in_dim3A_713 = arith.constant 8 : i32
        %broadcast_in_dim3A_714 = vector.broadcast %broadcast_in_dim3A_713 : i32 to vector<16x1xi32>
        %gather3A_715 = vector.shape_cast %broadcast_in_dim3A_714 : vector<16x1xi32> to vector<16xi32>
        %gather3A_716 = tpu.dynamic_gather %get3A_350[%gather3A_715] in [0] : vector<16xf32>, vector<16xi32> -> vector<16xf32>
        %add3A_717 = arith.constant 24 : i32
        %add3A_718 = arith.addi %mul3A_343, %add3A_717 : i32
        %mul3A_719 = arith.constant 16 : i32
        %mul3A_720 = arith.muli %add3A_718, %mul3A_719 : i32
        %get3A_721 = arith.index_cast %mul3A_720 : i32 to index
        %get3A_722 = tpu.vector_load %arg9[%get3A_721] {strides = array<i32>} : memref<53248xf32, #tpu.memory_space<vmem>>, vector<16xf32>,
        %get3A_723 = vector.shape_cast %get3A_722 : vector<16xf32> to vector<16xf32>
        %mul3A_724 = arith.mulf %get3A_723, %gather3A_716 : vector<16xf32>
        %add3A_725 = arith.addf %add3A_710, %mul3A_724 : vector<16xf32>
        %mul3A_726 = arith.mulf %mul3A_724, %mul3A_724 : vector<16xf32>
        %add3A_727 = arith.addf %add3A_712, %mul3A_726 : vector<16xf32>
        %broadcast_in_dim3A_728 = arith.constant 9 : i32
        %broadcast_in_dim3A_729 = vector.broadcast %broadcast_in_dim3A_728 : i32 to vector<16x1xi32>
        %gather3A_730 = vector.shape_cast %broadcast_in_dim3A_729 : vector<16x1xi32> to vector<16xi32>
        %gather3A_731 = tpu.dynamic_gather %get3A_350[%gather3A_730] in [0] : vector<16xf32>, vector<16xi32> -> vector<16xf32>
        %add3A_732 = arith.constant 25 : i32
        %add3A_733 = arith.addi %mul3A_343, %add3A_732 : i32
        %mul3A_734 = arith.constant 16 : i32
        %mul3A_735 = arith.muli %add3A_733, %mul3A_734 : i32
        %get3A_736 = arith.index_cast %mul3A_735 : i32 to index
        %get3A_737 = tpu.vector_load %arg9[%get3A_736] {strides = array<i32>} : memref<53248xf32, #tpu.memory_space<vmem>>, vector<16xf32>,
        %get3A_738 = vector.shape_cast %get3A_737 : vector<16xf32> to vector<16xf32>
        %mul3A_739 = arith.mulf %get3A_738, %gather3A_731 : vector<16xf32>
        %add3A_740 = arith.addf %add3A_725, %mul3A_739 : vector<16xf32>
        %mul3A_741 = arith.mulf %mul3A_739, %mul3A_739 : vector<16xf32>
        %add3A_742 = arith.addf %add3A_727, %mul3A_741 : vector<16xf32>
        %mul3A_743 = arith.mulf %add3A_740, %add3A_740 : vector<16xf32>
        %sub3A = arith.subf %mul3A_743, %add3A_742 : vector<16xf32>
        %mul3A_744 = arith.constant 5.000000e-01 : f32
        %mul3A_745 = vector.broadcast %mul3A_744 : f32 to vector<16xf32>
        %mul3A_746 = arith.mulf %mul3A_745, %sub3A : vector<16xf32>
        %mul3A_747 = arith.constant 16 : i32
        %mul3A_748 = arith.muli %scan3A_341, %mul3A_747 : i32
        %swap3A = arith.index_cast %mul3A_748 : i32 to index
        %swap3A_749 = tpu.vector_load %arg10[%swap3A] {strides = array<i32>} : memref<2048xf32, #tpu.memory_space<vmem>>, vector<16xf32>,
        %swap3A_750 = vector.shape_cast %swap3A_749 : vector<16xf32> to vector<16xf32>
        %swap3A_751 = vector.shape_cast %mul3A_746 : vector<16xf32> to vector<16xf32>
        tpu.vector_store %arg10[%swap3A], %swap3A_751 {strides = array<i32>} : memref<2048xf32, #tpu.memory_space<vmem>>, vector<16xf32>,
      }
      %scan3A_338 = arith.constant 128 : i32
      %mul3A_339 = arith.constant 16 : i32
      %mul3A_340 = arith.muli %add3A_14, %mul3A_339 : i32
      "tpu.region"() ({
        %run_scoped3A = tpu.sem_alloc : memref<!tpu.dma_semaphore, #tpu.memory_space<semaphore_mem>>
        %dma_start3A_341 = tpu.memref_slice %arg5[%mul3A_340] : memref<262144xf32, #tpu.memory_space<hbm>> -> memref<2048xf32, #tpu.memory_space<hbm>>
        %dma_start3A_342 = tpu.memref_slice %arg5[%mul3A_340] : memref<262144xf32, #tpu.memory_space<hbm>> -> memref<2048xf32, #tpu.memory_space<hbm>>
        tpu.enqueue_dma source(%arg10 : memref<2048xf32, #tpu.memory_space<vmem>>) target(%dma_start3A_342 : memref<2048xf32, #tpu.memory_space<hbm>>) target_semaphore(%run_scoped3A : memref<!tpu.dma_semaphore, #tpu.memory_space<semaphore_mem>>)
        %dma_wait3A_343 = tpu.memref_slice %arg5[%mul3A_340] : memref<262144xf32, #tpu.memory_space<hbm>> -> memref<2048xf32, #tpu.memory_space<hbm>>
        %dma_wait3A_344 = tpu.memref_slice %arg5[%mul3A_340] : memref<262144xf32, #tpu.memory_space<hbm>> -> memref<2048xf32, #tpu.memory_space<hbm>>
        tpu.wait_dma2 semaphore(%run_scoped3A : memref<!tpu.dma_semaphore, #tpu.memory_space<semaphore_mem>>) src(%arg10 : memref<2048xf32, #tpu.memory_space<vmem>>) dst(%dma_wait3A_344 : memref<2048xf32, #tpu.memory_space<hbm>>)
        tpu.yield
      }) : () -> ()
    }
    %scan3A_8 = arith.constant 4 : i32
    return
  }
}

module attributes {stable_mosaic.version = 14 : i64} {
  func.func @_compact_body(%arg0: i32, %arg1: memref<1x16x100000xf32, #tpu.memory_space<vmem>>, %arg2: memref<1605632xf32, #tpu.memory_space<vmem>>) attributes {dimension_semantics = [#tpu.dimension_semantics<arbitrary>], iteration_bounds = array<i64: 26>, scalar_prefetch = 0 : i64, scratch_operands = 0 : i64, tpu.core_type = #tpu.core_type<tc>, window_params = [{transform_indices = @transform_0, window_bounds = array<i64: 1, 16, 100000>}, {transform_indices = @transform_1, window_bounds = array<i64: 1605632>}]} {
    %get3A = arith.constant 0 : index
    %get3A_0 = arith.constant 0 : index
    %get3A_1 = arith.constant 0 : index
    %get3A_2 = vector.load %arg1[%get3A, %get3A_0, %get3A_1] : memref<1x16x100000xf32, #tpu.memory_space<vmem>>, vector<1x1x100000xf32>
    %get3A_3 = vector.shape_cast %get3A_2 : vector<1x1x100000xf32> to vector<100000xf32>
    %swap3A = arith.constant 0 : index
    %swap3A_4 = vector.load %arg2[%swap3A] : memref<1605632xf32, #tpu.memory_space<vmem>>, vector<100000xf32>
    tpu.vector_store %arg2[%swap3A], %get3A_3 {strides = array<i32>} : memref<1605632xf32, #tpu.memory_space<vmem>>, vector<100000xf32>,
    %get3A_5 = arith.constant 0 : index
    %get3A_6 = arith.constant 1 : index
    %get3A_7 = arith.constant 0 : index
    %get3A_8 = vector.load %arg1[%get3A_5, %get3A_6, %get3A_7] : memref<1x16x100000xf32, #tpu.memory_space<vmem>>, vector<1x1x100000xf32>
    %get3A_9 = vector.shape_cast %get3A_8 : vector<1x1x100000xf32> to vector<100000xf32>
    %swap3A_10 = arith.constant 100352 : index
    %swap3A_11 = vector.load %arg2[%swap3A_10] : memref<1605632xf32, #tpu.memory_space<vmem>>, vector<100000xf32>
    tpu.vector_store %arg2[%swap3A_10], %get3A_9 {strides = array<i32>} : memref<1605632xf32, #tpu.memory_space<vmem>>, vector<100000xf32>,
    %get3A_12 = arith.constant 0 : index
    %get3A_13 = arith.constant 2 : index
    %get3A_14 = arith.constant 0 : index
    %get3A_15 = vector.load %arg1[%get3A_12, %get3A_13, %get3A_14] : memref<1x16x100000xf32, #tpu.memory_space<vmem>>, vector<1x1x100000xf32>
    %get3A_16 = vector.shape_cast %get3A_15 : vector<1x1x100000xf32> to vector<100000xf32>
    %swap3A_17 = arith.constant 200704 : index
    %swap3A_18 = vector.load %arg2[%swap3A_17] : memref<1605632xf32, #tpu.memory_space<vmem>>, vector<100000xf32>
    tpu.vector_store %arg2[%swap3A_17], %get3A_16 {strides = array<i32>} : memref<1605632xf32, #tpu.memory_space<vmem>>, vector<100000xf32>,
    %get3A_19 = arith.constant 0 : index
    %get3A_20 = arith.constant 3 : index
    %get3A_21 = arith.constant 0 : index
    %get3A_22 = vector.load %arg1[%get3A_19, %get3A_20, %get3A_21] : memref<1x16x100000xf32, #tpu.memory_space<vmem>>, vector<1x1x100000xf32>
    %get3A_23 = vector.shape_cast %get3A_22 : vector<1x1x100000xf32> to vector<100000xf32>
    %swap3A_24 = arith.constant 301056 : index
    %swap3A_25 = vector.load %arg2[%swap3A_24] : memref<1605632xf32, #tpu.memory_space<vmem>>, vector<100000xf32>
    tpu.vector_store %arg2[%swap3A_24], %get3A_23 {strides = array<i32>} : memref<1605632xf32, #tpu.memory_space<vmem>>, vector<100000xf32>,
    %get3A_26 = arith.constant 0 : index
    %get3A_27 = arith.constant 4 : index
    %get3A_28 = arith.constant 0 : index
    %get3A_29 = vector.load %arg1[%get3A_26, %get3A_27, %get3A_28] : memref<1x16x100000xf32, #tpu.memory_space<vmem>>, vector<1x1x100000xf32>
    %get3A_30 = vector.shape_cast %get3A_29 : vector<1x1x100000xf32> to vector<100000xf32>
    %swap3A_31 = arith.constant 401408 : index
    %swap3A_32 = vector.load %arg2[%swap3A_31] : memref<1605632xf32, #tpu.memory_space<vmem>>, vector<100000xf32>
    tpu.vector_store %arg2[%swap3A_31], %get3A_30 {strides = array<i32>} : memref<1605632xf32, #tpu.memory_space<vmem>>, vector<100000xf32>,
    %get3A_33 = arith.constant 0 : index
    %get3A_34 = arith.constant 5 : index
    %get3A_35 = arith.constant 0 : index
    %get3A_36 = vector.load %arg1[%get3A_33, %get3A_34, %get3A_35] : memref<1x16x100000xf32, #tpu.memory_space<vmem>>, vector<1x1x100000xf32>
    %get3A_37 = vector.shape_cast %get3A_36 : vector<1x1x100000xf32> to vector<100000xf32>
    %swap3A_38 = arith.constant 501760 : index
    %swap3A_39 = vector.load %arg2[%swap3A_38] : memref<1605632xf32, #tpu.memory_space<vmem>>, vector<100000xf32>
    tpu.vector_store %arg2[%swap3A_38], %get3A_37 {strides = array<i32>} : memref<1605632xf32, #tpu.memory_space<vmem>>, vector<100000xf32>,
    %get3A_40 = arith.constant 0 : index
    %get3A_41 = arith.constant 6 : index
    %get3A_42 = arith.constant 0 : index
    %get3A_43 = vector.load %arg1[%get3A_40, %get3A_41, %get3A_42] : memref<1x16x100000xf32, #tpu.memory_space<vmem>>, vector<1x1x100000xf32>
    %get3A_44 = vector.shape_cast %get3A_43 : vector<1x1x100000xf32> to vector<100000xf32>
    %swap3A_45 = arith.constant 602112 : index
    %swap3A_46 = vector.load %arg2[%swap3A_45] : memref<1605632xf32, #tpu.memory_space<vmem>>, vector<100000xf32>
    tpu.vector_store %arg2[%swap3A_45], %get3A_44 {strides = array<i32>} : memref<1605632xf32, #tpu.memory_space<vmem>>, vector<100000xf32>,
    %get3A_47 = arith.constant 0 : index
    %get3A_48 = arith.constant 7 : index
    %get3A_49 = arith.constant 0 : index
    %get3A_50 = vector.load %arg1[%get3A_47, %get3A_48, %get3A_49] : memref<1x16x100000xf32, #tpu.memory_space<vmem>>, vector<1x1x100000xf32>
    %get3A_51 = vector.shape_cast %get3A_50 : vector<1x1x100000xf32> to vector<100000xf32>
    %swap3A_52 = arith.constant 702464 : index
    %swap3A_53 = vector.load %arg2[%swap3A_52] : memref<1605632xf32, #tpu.memory_space<vmem>>, vector<100000xf32>
    tpu.vector_store %arg2[%swap3A_52], %get3A_51 {strides = array<i32>} : memref<1605632xf32, #tpu.memory_space<vmem>>, vector<100000xf32>,
    %get3A_54 = arith.constant 0 : index
    %get3A_55 = arith.constant 8 : index
    %get3A_56 = arith.constant 0 : index
    %get3A_57 = vector.load %arg1[%get3A_54, %get3A_55, %get3A_56] : memref<1x16x100000xf32, #tpu.memory_space<vmem>>, vector<1x1x100000xf32>
    %get3A_58 = vector.shape_cast %get3A_57 : vector<1x1x100000xf32> to vector<100000xf32>
    %swap3A_59 = arith.constant 802816 : index
    %swap3A_60 = vector.load %arg2[%swap3A_59] : memref<1605632xf32, #tpu.memory_space<vmem>>, vector<100000xf32>
    tpu.vector_store %arg2[%swap3A_59], %get3A_58 {strides = array<i32>} : memref<1605632xf32, #tpu.memory_space<vmem>>, vector<100000xf32>,
    %get3A_61 = arith.constant 0 : index
    %get3A_62 = arith.constant 9 : index
    %get3A_63 = arith.constant 0 : index
    %get3A_64 = vector.load %arg1[%get3A_61, %get3A_62, %get3A_63] : memref<1x16x100000xf32, #tpu.memory_space<vmem>>, vector<1x1x100000xf32>
    %get3A_65 = vector.shape_cast %get3A_64 : vector<1x1x100000xf32> to vector<100000xf32>
    %swap3A_66 = arith.constant 903168 : index
    %swap3A_67 = vector.load %arg2[%swap3A_66] : memref<1605632xf32, #tpu.memory_space<vmem>>, vector<100000xf32>
    tpu.vector_store %arg2[%swap3A_66], %get3A_65 {strides = array<i32>} : memref<1605632xf32, #tpu.memory_space<vmem>>, vector<100000xf32>,
    %get3A_68 = arith.constant 0 : index
    %get3A_69 = arith.constant 10 : index
    %get3A_70 = arith.constant 0 : index
    %get3A_71 = vector.load %arg1[%get3A_68, %get3A_69, %get3A_70] : memref<1x16x100000xf32, #tpu.memory_space<vmem>>, vector<1x1x100000xf32>
    %get3A_72 = vector.shape_cast %get3A_71 : vector<1x1x100000xf32> to vector<100000xf32>
    %swap3A_73 = arith.constant 1003520 : index
    %swap3A_74 = vector.load %arg2[%swap3A_73] : memref<1605632xf32, #tpu.memory_space<vmem>>, vector<100000xf32>
    tpu.vector_store %arg2[%swap3A_73], %get3A_72 {strides = array<i32>} : memref<1605632xf32, #tpu.memory_space<vmem>>, vector<100000xf32>,
    %get3A_75 = arith.constant 0 : index
    %get3A_76 = arith.constant 11 : index
    %get3A_77 = arith.constant 0 : index
    %get3A_78 = vector.load %arg1[%get3A_75, %get3A_76, %get3A_77] : memref<1x16x100000xf32, #tpu.memory_space<vmem>>, vector<1x1x100000xf32>
    %get3A_79 = vector.shape_cast %get3A_78 : vector<1x1x100000xf32> to vector<100000xf32>
    %swap3A_80 = arith.constant 1103872 : index
    %swap3A_81 = vector.load %arg2[%swap3A_80] : memref<1605632xf32, #tpu.memory_space<vmem>>, vector<100000xf32>
    tpu.vector_store %arg2[%swap3A_80], %get3A_79 {strides = array<i32>} : memref<1605632xf32, #tpu.memory_space<vmem>>, vector<100000xf32>,
    %get3A_82 = arith.constant 0 : index
    %get3A_83 = arith.constant 12 : index
    %get3A_84 = arith.constant 0 : index
    %get3A_85 = vector.load %arg1[%get3A_82, %get3A_83, %get3A_84] : memref<1x16x100000xf32, #tpu.memory_space<vmem>>, vector<1x1x100000xf32>
    %get3A_86 = vector.shape_cast %get3A_85 : vector<1x1x100000xf32> to vector<100000xf32>
    %swap3A_87 = arith.constant 1204224 : index
    %swap3A_88 = vector.load %arg2[%swap3A_87] : memref<1605632xf32, #tpu.memory_space<vmem>>, vector<100000xf32>
    tpu.vector_store %arg2[%swap3A_87], %get3A_86 {strides = array<i32>} : memref<1605632xf32, #tpu.memory_space<vmem>>, vector<100000xf32>,
    %get3A_89 = arith.constant 0 : index
    %get3A_90 = arith.constant 13 : index
    %get3A_91 = arith.constant 0 : index
    %get3A_92 = vector.load %arg1[%get3A_89, %get3A_90, %get3A_91] : memref<1x16x100000xf32, #tpu.memory_space<vmem>>, vector<1x1x100000xf32>
    %get3A_93 = vector.shape_cast %get3A_92 : vector<1x1x100000xf32> to vector<100000xf32>
    %swap3A_94 = arith.constant 1304576 : index
    %swap3A_95 = vector.load %arg2[%swap3A_94] : memref<1605632xf32, #tpu.memory_space<vmem>>, vector<100000xf32>
    tpu.vector_store %arg2[%swap3A_94], %get3A_93 {strides = array<i32>} : memref<1605632xf32, #tpu.memory_space<vmem>>, vector<100000xf32>,
    %get3A_96 = arith.constant 0 : index
    %get3A_97 = arith.constant 14 : index
    %get3A_98 = arith.constant 0 : index
    %get3A_99 = vector.load %arg1[%get3A_96, %get3A_97, %get3A_98] : memref<1x16x100000xf32, #tpu.memory_space<vmem>>, vector<1x1x100000xf32>
    %get3A_100 = vector.shape_cast %get3A_99 : vector<1x1x100000xf32> to vector<100000xf32>
    %swap3A_101 = arith.constant 1404928 : index
    %swap3A_102 = vector.load %arg2[%swap3A_101] : memref<1605632xf32, #tpu.memory_space<vmem>>, vector<100000xf32>
    tpu.vector_store %arg2[%swap3A_101], %get3A_100 {strides = array<i32>} : memref<1605632xf32, #tpu.memory_space<vmem>>, vector<100000xf32>,
    %get3A_103 = arith.constant 0 : index
    %get3A_104 = arith.constant 15 : index
    %get3A_105 = arith.constant 0 : index
    %get3A_106 = vector.load %arg1[%get3A_103, %get3A_104, %get3A_105] : memref<1x16x100000xf32, #tpu.memory_space<vmem>>, vector<1x1x100000xf32>
    %get3A_107 = vector.shape_cast %get3A_106 : vector<1x1x100000xf32> to vector<100000xf32>
    %swap3A_108 = arith.constant 1505280 : index
    %swap3A_109 = vector.load %arg2[%swap3A_108] : memref<1605632xf32, #tpu.memory_space<vmem>>, vector<100000xf32>
    tpu.vector_store %arg2[%swap3A_108], %get3A_107 {strides = array<i32>} : memref<1605632xf32, #tpu.memory_space<vmem>>, vector<100000xf32>,
    return
  }
  func.func @transform_0(%arg0: i32) -> (i32, i32, i32) {
    %c0_i32 = arith.constant 0 : i32
    %c0_i32_0 = arith.constant 0 : i32
    %c0_i32_1 = arith.constant 0 : i32
    return %arg0, %c0_i32, %c0_i32_0 : i32, i32, i32
  }
  func.func @transform_1(%arg0: i32) -> i32 {
    %c0_i32 = arith.constant 0 : i32
    return %arg0 : i32
  }
}

module attributes {stable_mosaic.version = 14 : i64} {
  func.func @_mlp_body(%arg0: i32, %arg1: memref<512x16xf32, #tpu.memory_space<vmem>>, %arg2: memref<16x10xf32, #tpu.memory_space<vmem>>, %arg3: memref<10xf32, #tpu.memory_space<vmem>>, %arg4: memref<4x10x10xf32, #tpu.memory_space<vmem>>, %arg5: memref<4x10xf32, #tpu.memory_space<vmem>>, %arg6: memref<5x10x2xf32, #tpu.memory_space<vmem>>, %arg7: memref<5x2xf32, #tpu.memory_space<vmem>>, %arg8: memref<5x512x2xf32, #tpu.memory_space<vmem>>) attributes {dimension_semantics = [#tpu.dimension_semantics<arbitrary>], iteration_bounds = array<i64: 32>, scalar_prefetch = 0 : i64, scratch_operands = 0 : i64, tpu.core_type = #tpu.core_type<tc>, window_params = [{transform_indices = @transform_0, window_bounds = array<i64: 512, 16>}, {pipeline_mode = #tpu.pipeline_mode<synchronous>, transform_indices = @transform_1, window_bounds = array<i64: 16, 10>}, {pipeline_mode = #tpu.pipeline_mode<synchronous>, transform_indices = @transform_2, window_bounds = array<i64: 10>}, {pipeline_mode = #tpu.pipeline_mode<synchronous>, transform_indices = @transform_3, window_bounds = array<i64: 4, 10, 10>}, {pipeline_mode = #tpu.pipeline_mode<synchronous>, transform_indices = @transform_4, window_bounds = array<i64: 4, 10>}, {pipeline_mode = #tpu.pipeline_mode<synchronous>, transform_indices = @transform_5, window_bounds = array<i64: 5, 10, 2>}, {pipeline_mode = #tpu.pipeline_mode<synchronous>, transform_indices = @transform_6, window_bounds = array<i64: 5, 2>}, {transform_indices = @transform_7, window_bounds = array<i64: 5, 512, 2>}]} {
    %get3A = arith.constant 0 : index
    %get3A_0 = arith.constant 0 : index
    %get3A_1 = vector.load %arg1[%get3A, %get3A_0] : memref<512x16xf32, #tpu.memory_space<vmem>>, vector<512x16xf32>
    %get3A_2 = arith.constant 0 : index
    %get3A_3 = arith.constant 0 : index
    %get3A_4 = vector.load %arg2[%get3A_2, %get3A_3] : memref<16x10xf32, #tpu.memory_space<vmem>>, vector<16x10xf32>
    %dot_general3A = arith.constant dense<0.000000e+00> : vector<512x10xf32>
    %dot_general3A_5 = tpu.matmul %get3A_1, %get3A_4, %dot_general3A {dimension_numbers = #tpu.dot_dimension_numbers<[1], [0], [0], [1], [0, 0, 1, 1], [], []>, transpose_lhs_hint = false} : vector<512x16xf32>, vector<16x10xf32>, vector<512x10xf32> -> vector<512x10xf32>
    %get3A_6 = arith.constant 0 : index
    %get3A_7 = vector.load %arg3[%get3A_6] : memref<10xf32, #tpu.memory_space<vmem>>, vector<10xf32>
    %broadcast_in_dim3A = vector.shape_cast %get3A_7 : vector<10xf32> to vector<1x10xf32>
    %add3A = vector.broadcast %broadcast_in_dim3A : vector<1x10xf32> to vector<512x10xf32>
    %add3A_8 = arith.addf %dot_general3A_5, %add3A : vector<512x10xf32>
    %max3A = arith.constant 0.000000e+00 : f32
    %max3A_9 = vector.broadcast %max3A : f32 to vector<512x10xf32>
    %max3A_10 = arith.maximumf %add3A_8, %max3A_9 : vector<512x10xf32>
    %get3A_11 = arith.constant 0 : index
    %get3A_12 = arith.constant 0 : index
    %get3A_13 = arith.constant 0 : index
    %get3A_14 = vector.load %arg4[%get3A_11, %get3A_12, %get3A_13] : memref<4x10x10xf32, #tpu.memory_space<vmem>>, vector<1x10x10xf32>
    %get3A_15 = vector.shape_cast %get3A_14 : vector<1x10x10xf32> to vector<10x10xf32>
    %dot_general3A_16 = arith.constant dense<0.000000e+00> : vector<512x10xf32>
    %dot_general3A_17 = tpu.matmul %max3A_10, %get3A_15, %dot_general3A_16 {dimension_numbers = #tpu.dot_dimension_numbers<[1], [0], [0], [1], [0, 0, 1, 1], [], []>, transpose_lhs_hint = false} : vector<512x10xf32>, vector<10x10xf32>, vector<512x10xf32> -> vector<512x10xf32>
    %get3A_18 = arith.constant 0 : index
    %get3A_19 = arith.constant 0 : index
    %get3A_20 = vector.load %arg5[%get3A_18, %get3A_19] : memref<4x10xf32, #tpu.memory_space<vmem>>, vector<1x10xf32>
    %get3A_21 = vector.shape_cast %get3A_20 : vector<1x10xf32> to vector<10xf32>
    %broadcast_in_dim3A_22 = vector.shape_cast %get3A_21 : vector<10xf32> to vector<1x10xf32>
    %add3A_23 = vector.broadcast %broadcast_in_dim3A_22 : vector<1x10xf32> to vector<512x10xf32>
    %add3A_24 = arith.addf %dot_general3A_17, %add3A_23 : vector<512x10xf32>
    %max3A_25 = arith.constant 0.000000e+00 : f32
    %max3A_26 = vector.broadcast %max3A_25 : f32 to vector<512x10xf32>
    %max3A_27 = arith.maximumf %add3A_24, %max3A_26 : vector<512x10xf32>
    %get3A_28 = arith.constant 1 : index
    %get3A_29 = arith.constant 0 : index
    %get3A_30 = arith.constant 0 : index
    %get3A_31 = vector.load %arg4[%get3A_28, %get3A_29, %get3A_30] : memref<4x10x10xf32, #tpu.memory_space<vmem>>, vector<1x10x10xf32>
    %get3A_32 = vector.shape_cast %get3A_31 : vector<1x10x10xf32> to vector<10x10xf32>
    %dot_general3A_33 = arith.constant dense<0.000000e+00> : vector<512x10xf32>
    %dot_general3A_34 = tpu.matmul %max3A_27, %get3A_32, %dot_general3A_33 {dimension_numbers = #tpu.dot_dimension_numbers<[1], [0], [0], [1], [0, 0, 1, 1], [], []>, transpose_lhs_hint = false} : vector<512x10xf32>, vector<10x10xf32>, vector<512x10xf32> -> vector<512x10xf32>
    %get3A_35 = arith.constant 1 : index
    %get3A_36 = arith.constant 0 : index
    %get3A_37 = vector.load %arg5[%get3A_35, %get3A_36] : memref<4x10xf32, #tpu.memory_space<vmem>>, vector<1x10xf32>
    %get3A_38 = vector.shape_cast %get3A_37 : vector<1x10xf32> to vector<10xf32>
    %broadcast_in_dim3A_39 = vector.shape_cast %get3A_38 : vector<10xf32> to vector<1x10xf32>
    %add3A_40 = vector.broadcast %broadcast_in_dim3A_39 : vector<1x10xf32> to vector<512x10xf32>
    %add3A_41 = arith.addf %dot_general3A_34, %add3A_40 : vector<512x10xf32>
    %max3A_42 = arith.constant 0.000000e+00 : f32
    %max3A_43 = vector.broadcast %max3A_42 : f32 to vector<512x10xf32>
    %max3A_44 = arith.maximumf %add3A_41, %max3A_43 : vector<512x10xf32>
    %get3A_45 = arith.constant 2 : index
    %get3A_46 = arith.constant 0 : index
    %get3A_47 = arith.constant 0 : index
    %get3A_48 = vector.load %arg4[%get3A_45, %get3A_46, %get3A_47] : memref<4x10x10xf32, #tpu.memory_space<vmem>>, vector<1x10x10xf32>
    %get3A_49 = vector.shape_cast %get3A_48 : vector<1x10x10xf32> to vector<10x10xf32>
    %dot_general3A_50 = arith.constant dense<0.000000e+00> : vector<512x10xf32>
    %dot_general3A_51 = tpu.matmul %max3A_44, %get3A_49, %dot_general3A_50 {dimension_numbers = #tpu.dot_dimension_numbers<[1], [0], [0], [1], [0, 0, 1, 1], [], []>, transpose_lhs_hint = false} : vector<512x10xf32>, vector<10x10xf32>, vector<512x10xf32> -> vector<512x10xf32>
    %get3A_52 = arith.constant 2 : index
    %get3A_53 = arith.constant 0 : index
    %get3A_54 = vector.load %arg5[%get3A_52, %get3A_53] : memref<4x10xf32, #tpu.memory_space<vmem>>, vector<1x10xf32>
    %get3A_55 = vector.shape_cast %get3A_54 : vector<1x10xf32> to vector<10xf32>
    %broadcast_in_dim3A_56 = vector.shape_cast %get3A_55 : vector<10xf32> to vector<1x10xf32>
    %add3A_57 = vector.broadcast %broadcast_in_dim3A_56 : vector<1x10xf32> to vector<512x10xf32>
    %add3A_58 = arith.addf %dot_general3A_51, %add3A_57 : vector<512x10xf32>
    %max3A_59 = arith.constant 0.000000e+00 : f32
    %max3A_60 = vector.broadcast %max3A_59 : f32 to vector<512x10xf32>
    %max3A_61 = arith.maximumf %add3A_58, %max3A_60 : vector<512x10xf32>
    %get3A_62 = arith.constant 3 : index
    %get3A_63 = arith.constant 0 : index
    %get3A_64 = arith.constant 0 : index
    %get3A_65 = vector.load %arg4[%get3A_62, %get3A_63, %get3A_64] : memref<4x10x10xf32, #tpu.memory_space<vmem>>, vector<1x10x10xf32>
    %get3A_66 = vector.shape_cast %get3A_65 : vector<1x10x10xf32> to vector<10x10xf32>
    %dot_general3A_67 = arith.constant dense<0.000000e+00> : vector<512x10xf32>
    %dot_general3A_68 = tpu.matmul %max3A_61, %get3A_66, %dot_general3A_67 {dimension_numbers = #tpu.dot_dimension_numbers<[1], [0], [0], [1], [0, 0, 1, 1], [], []>, transpose_lhs_hint = false} : vector<512x10xf32>, vector<10x10xf32>, vector<512x10xf32> -> vector<512x10xf32>
    %get3A_69 = arith.constant 3 : index
    %get3A_70 = arith.constant 0 : index
    %get3A_71 = vector.load %arg5[%get3A_69, %get3A_70] : memref<4x10xf32, #tpu.memory_space<vmem>>, vector<1x10xf32>
    %get3A_72 = vector.shape_cast %get3A_71 : vector<1x10xf32> to vector<10xf32>
    %broadcast_in_dim3A_73 = vector.shape_cast %get3A_72 : vector<10xf32> to vector<1x10xf32>
    %add3A_74 = vector.broadcast %broadcast_in_dim3A_73 : vector<1x10xf32> to vector<512x10xf32>
    %add3A_75 = arith.addf %dot_general3A_68, %add3A_74 : vector<512x10xf32>
    %max3A_76 = arith.constant 0.000000e+00 : f32
    %max3A_77 = vector.broadcast %max3A_76 : f32 to vector<512x10xf32>
    %max3A_78 = arith.maximumf %add3A_75, %max3A_77 : vector<512x10xf32>
    %get3A_79 = arith.constant 0 : index
    %get3A_80 = arith.constant 0 : index
    %get3A_81 = arith.constant 0 : index
    %get3A_82 = vector.load %arg6[%get3A_79, %get3A_80, %get3A_81] : memref<5x10x2xf32, #tpu.memory_space<vmem>>, vector<1x10x2xf32>
    %get3A_83 = vector.shape_cast %get3A_82 : vector<1x10x2xf32> to vector<10x2xf32>
    %dot_general3A_84 = arith.constant dense<0.000000e+00> : vector<512x2xf32>
    %dot_general3A_85 = tpu.matmul %max3A_10, %get3A_83, %dot_general3A_84 {dimension_numbers = #tpu.dot_dimension_numbers<[1], [0], [0], [1], [0, 0, 1, 1], [], []>, transpose_lhs_hint = false} : vector<512x10xf32>, vector<10x2xf32>, vector<512x2xf32> -> vector<512x2xf32>
    %get3A_86 = arith.constant 0 : index
    %get3A_87 = arith.constant 0 : index
    %get3A_88 = vector.load %arg7[%get3A_86, %get3A_87] : memref<5x2xf32, #tpu.memory_space<vmem>>, vector<1x2xf32>
    %get3A_89 = vector.shape_cast %get3A_88 : vector<1x2xf32> to vector<2xf32>
    %broadcast_in_dim3A_90 = vector.shape_cast %get3A_89 : vector<2xf32> to vector<1x2xf32>
    %add3A_91 = vector.broadcast %broadcast_in_dim3A_90 : vector<1x2xf32> to vector<512x2xf32>
    %add3A_92 = arith.addf %dot_general3A_85, %add3A_91 : vector<512x2xf32>
    %swap3A = arith.constant 0 : index
    %swap3A_93 = arith.constant 0 : index
    %swap3A_94 = arith.constant 0 : index
    %swap3A_95 = vector.load %arg8[%swap3A, %swap3A_93, %swap3A_94] : memref<5x512x2xf32, #tpu.memory_space<vmem>>, vector<1x512x2xf32>
    %swap3A_96 = vector.shape_cast %swap3A_95 : vector<1x512x2xf32> to vector<512x2xf32>
    %swap3A_97 = vector.shape_cast %add3A_92 : vector<512x2xf32> to vector<1x512x2xf32>
    tpu.vector_store %arg8[%swap3A, %swap3A_93, %swap3A_94], %swap3A_97 {strides = array<i32>} : memref<5x512x2xf32, #tpu.memory_space<vmem>>, vector<1x512x2xf32>,
    %get3A_98 = arith.constant 1 : index
    %get3A_99 = arith.constant 0 : index
    %get3A_100 = arith.constant 0 : index
    %get3A_101 = vector.load %arg6[%get3A_98, %get3A_99, %get3A_100] : memref<5x10x2xf32, #tpu.memory_space<vmem>>, vector<1x10x2xf32>
    %get3A_102 = vector.shape_cast %get3A_101 : vector<1x10x2xf32> to vector<10x2xf32>
    %dot_general3A_103 = arith.constant dense<0.000000e+00> : vector<512x2xf32>
    %dot_general3A_104 = tpu.matmul %max3A_27, %get3A_102, %dot_general3A_103 {dimension_numbers = #tpu.dot_dimension_numbers<[1], [0], [0], [1], [0, 0, 1, 1], [], []>, transpose_lhs_hint = false} : vector<512x10xf32>, vector<10x2xf32>, vector<512x2xf32> -> vector<512x2xf32>
    %get3A_105 = arith.constant 1 : index
    %get3A_106 = arith.constant 0 : index
    %get3A_107 = vector.load %arg7[%get3A_105, %get3A_106] : memref<5x2xf32, #tpu.memory_space<vmem>>, vector<1x2xf32>
    %get3A_108 = vector.shape_cast %get3A_107 : vector<1x2xf32> to vector<2xf32>
    %broadcast_in_dim3A_109 = vector.shape_cast %get3A_108 : vector<2xf32> to vector<1x2xf32>
    %add3A_110 = vector.broadcast %broadcast_in_dim3A_109 : vector<1x2xf32> to vector<512x2xf32>
    %add3A_111 = arith.addf %dot_general3A_104, %add3A_110 : vector<512x2xf32>
    %swap3A_112 = arith.constant 1 : index
    %swap3A_113 = arith.constant 0 : index
    %swap3A_114 = arith.constant 0 : index
    %swap3A_115 = vector.load %arg8[%swap3A_112, %swap3A_113, %swap3A_114] : memref<5x512x2xf32, #tpu.memory_space<vmem>>, vector<1x512x2xf32>
    %swap3A_116 = vector.shape_cast %swap3A_115 : vector<1x512x2xf32> to vector<512x2xf32>
    %swap3A_117 = vector.shape_cast %add3A_111 : vector<512x2xf32> to vector<1x512x2xf32>
    tpu.vector_store %arg8[%swap3A_112, %swap3A_113, %swap3A_114], %swap3A_117 {strides = array<i32>} : memref<5x512x2xf32, #tpu.memory_space<vmem>>, vector<1x512x2xf32>,
    %get3A_118 = arith.constant 2 : index
    %get3A_119 = arith.constant 0 : index
    %get3A_120 = arith.constant 0 : index
    %get3A_121 = vector.load %arg6[%get3A_118, %get3A_119, %get3A_120] : memref<5x10x2xf32, #tpu.memory_space<vmem>>, vector<1x10x2xf32>
    %get3A_122 = vector.shape_cast %get3A_121 : vector<1x10x2xf32> to vector<10x2xf32>
    %dot_general3A_123 = arith.constant dense<0.000000e+00> : vector<512x2xf32>
    %dot_general3A_124 = tpu.matmul %max3A_44, %get3A_122, %dot_general3A_123 {dimension_numbers = #tpu.dot_dimension_numbers<[1], [0], [0], [1], [0, 0, 1, 1], [], []>, transpose_lhs_hint = false} : vector<512x10xf32>, vector<10x2xf32>, vector<512x2xf32> -> vector<512x2xf32>
    %get3A_125 = arith.constant 2 : index
    %get3A_126 = arith.constant 0 : index
    %get3A_127 = vector.load %arg7[%get3A_125, %get3A_126] : memref<5x2xf32, #tpu.memory_space<vmem>>, vector<1x2xf32>
    %get3A_128 = vector.shape_cast %get3A_127 : vector<1x2xf32> to vector<2xf32>
    %broadcast_in_dim3A_129 = vector.shape_cast %get3A_128 : vector<2xf32> to vector<1x2xf32>
    %add3A_130 = vector.broadcast %broadcast_in_dim3A_129 : vector<1x2xf32> to vector<512x2xf32>
    %add3A_131 = arith.addf %dot_general3A_124, %add3A_130 : vector<512x2xf32>
    %swap3A_132 = arith.constant 2 : index
    %swap3A_133 = arith.constant 0 : index
    %swap3A_134 = arith.constant 0 : index
    %swap3A_135 = vector.load %arg8[%swap3A_132, %swap3A_133, %swap3A_134] : memref<5x512x2xf32, #tpu.memory_space<vmem>>, vector<1x512x2xf32>
    %swap3A_136 = vector.shape_cast %swap3A_135 : vector<1x512x2xf32> to vector<512x2xf32>
    %swap3A_137 = vector.shape_cast %add3A_131 : vector<512x2xf32> to vector<1x512x2xf32>
    tpu.vector_store %arg8[%swap3A_132, %swap3A_133, %swap3A_134], %swap3A_137 {strides = array<i32>} : memref<5x512x2xf32, #tpu.memory_space<vmem>>, vector<1x512x2xf32>,
    %get3A_138 = arith.constant 3 : index
    %get3A_139 = arith.constant 0 : index
    %get3A_140 = arith.constant 0 : index
    %get3A_141 = vector.load %arg6[%get3A_138, %get3A_139, %get3A_140] : memref<5x10x2xf32, #tpu.memory_space<vmem>>, vector<1x10x2xf32>
    %get3A_142 = vector.shape_cast %get3A_141 : vector<1x10x2xf32> to vector<10x2xf32>
    %dot_general3A_143 = arith.constant dense<0.000000e+00> : vector<512x2xf32>
    %dot_general3A_144 = tpu.matmul %max3A_61, %get3A_142, %dot_general3A_143 {dimension_numbers = #tpu.dot_dimension_numbers<[1], [0], [0], [1], [0, 0, 1, 1], [], []>, transpose_lhs_hint = false} : vector<512x10xf32>, vector<10x2xf32>, vector<512x2xf32> -> vector<512x2xf32>
    %get3A_145 = arith.constant 3 : index
    %get3A_146 = arith.constant 0 : index
    %get3A_147 = vector.load %arg7[%get3A_145, %get3A_146] : memref<5x2xf32, #tpu.memory_space<vmem>>, vector<1x2xf32>
    %get3A_148 = vector.shape_cast %get3A_147 : vector<1x2xf32> to vector<2xf32>
    %broadcast_in_dim3A_149 = vector.shape_cast %get3A_148 : vector<2xf32> to vector<1x2xf32>
    %add3A_150 = vector.broadcast %broadcast_in_dim3A_149 : vector<1x2xf32> to vector<512x2xf32>
    %add3A_151 = arith.addf %dot_general3A_144, %add3A_150 : vector<512x2xf32>
    %swap3A_152 = arith.constant 3 : index
    %swap3A_153 = arith.constant 0 : index
    %swap3A_154 = arith.constant 0 : index
    %swap3A_155 = vector.load %arg8[%swap3A_152, %swap3A_153, %swap3A_154] : memref<5x512x2xf32, #tpu.memory_space<vmem>>, vector<1x512x2xf32>
    %swap3A_156 = vector.shape_cast %swap3A_155 : vector<1x512x2xf32> to vector<512x2xf32>
    %swap3A_157 = vector.shape_cast %add3A_151 : vector<512x2xf32> to vector<1x512x2xf32>
    tpu.vector_store %arg8[%swap3A_152, %swap3A_153, %swap3A_154], %swap3A_157 {strides = array<i32>} : memref<5x512x2xf32, #tpu.memory_space<vmem>>, vector<1x512x2xf32>,
    %get3A_158 = arith.constant 4 : index
    %get3A_159 = arith.constant 0 : index
    %get3A_160 = arith.constant 0 : index
    %get3A_161 = vector.load %arg6[%get3A_158, %get3A_159, %get3A_160] : memref<5x10x2xf32, #tpu.memory_space<vmem>>, vector<1x10x2xf32>
    %get3A_162 = vector.shape_cast %get3A_161 : vector<1x10x2xf32> to vector<10x2xf32>
    %dot_general3A_163 = arith.constant dense<0.000000e+00> : vector<512x2xf32>
    %dot_general3A_164 = tpu.matmul %max3A_78, %get3A_162, %dot_general3A_163 {dimension_numbers = #tpu.dot_dimension_numbers<[1], [0], [0], [1], [0, 0, 1, 1], [], []>, transpose_lhs_hint = false} : vector<512x10xf32>, vector<10x2xf32>, vector<512x2xf32> -> vector<512x2xf32>
    %get3A_165 = arith.constant 4 : index
    %get3A_166 = arith.constant 0 : index
    %get3A_167 = vector.load %arg7[%get3A_165, %get3A_166] : memref<5x2xf32, #tpu.memory_space<vmem>>, vector<1x2xf32>
    %get3A_168 = vector.shape_cast %get3A_167 : vector<1x2xf32> to vector<2xf32>
    %broadcast_in_dim3A_169 = vector.shape_cast %get3A_168 : vector<2xf32> to vector<1x2xf32>
    %add3A_170 = vector.broadcast %broadcast_in_dim3A_169 : vector<1x2xf32> to vector<512x2xf32>
    %add3A_171 = arith.addf %dot_general3A_164, %add3A_170 : vector<512x2xf32>
    %swap3A_172 = arith.constant 4 : index
    %swap3A_173 = arith.constant 0 : index
    %swap3A_174 = arith.constant 0 : index
    %swap3A_175 = vector.load %arg8[%swap3A_172, %swap3A_173, %swap3A_174] : memref<5x512x2xf32, #tpu.memory_space<vmem>>, vector<1x512x2xf32>
    %swap3A_176 = vector.shape_cast %swap3A_175 : vector<1x512x2xf32> to vector<512x2xf32>
    %swap3A_177 = vector.shape_cast %add3A_171 : vector<512x2xf32> to vector<1x512x2xf32>
    tpu.vector_store %arg8[%swap3A_172, %swap3A_173, %swap3A_174], %swap3A_177 {strides = array<i32>} : memref<5x512x2xf32, #tpu.memory_space<vmem>>, vector<1x512x2xf32>,
    return
  }
  func.func @transform_0(%arg0: i32) -> (i32, i32) {
    %c0_i32 = arith.constant 0 : i32
    %c0_i32_0 = arith.constant 0 : i32
    return %arg0, %c0_i32 : i32, i32
  }
  func.func @transform_1(%arg0: i32) -> (i32, i32) {
    %c0_i32 = arith.constant 0 : i32
    %c0_i32_0 = arith.constant 0 : i32
    %c0_i32_1 = arith.constant 0 : i32
    return %c0_i32, %c0_i32_0 : i32, i32
  }
  func.func @transform_2(%arg0: i32) -> i32 {
    %c0_i32 = arith.constant 0 : i32
    %c0_i32_0 = arith.constant 0 : i32
    return %c0_i32 : i32
  }
  func.func @transform_3(%arg0: i32) -> (i32, i32, i32) {
    %c0_i32 = arith.constant 0 : i32
    %c0_i32_0 = arith.constant 0 : i32
    %c0_i32_1 = arith.constant 0 : i32
    %c0_i32_2 = arith.constant 0 : i32
    return %c0_i32, %c0_i32_0, %c0_i32_1 : i32, i32, i32
  }
  func.func @transform_4(%arg0: i32) -> (i32, i32) {
    %c0_i32 = arith.constant 0 : i32
    %c0_i32_0 = arith.constant 0 : i32
    %c0_i32_1 = arith.constant 0 : i32
    return %c0_i32, %c0_i32_0 : i32, i32
  }
  func.func @transform_5(%arg0: i32) -> (i32, i32, i32) {
    %c0_i32 = arith.constant 0 : i32
    %c0_i32_0 = arith.constant 0 : i32
    %c0_i32_1 = arith.constant 0 : i32
    %c0_i32_2 = arith.constant 0 : i32
    return %c0_i32, %c0_i32_0, %c0_i32_1 : i32, i32, i32
  }
  func.func @transform_6(%arg0: i32) -> (i32, i32) {
    %c0_i32 = arith.constant 0 : i32
    %c0_i32_0 = arith.constant 0 : i32
    %c0_i32_1 = arith.constant 0 : i32
    return %c0_i32, %c0_i32_0 : i32, i32
  }
  func.func @transform_7(%arg0: i32) -> (i32, i32, i32) {
    %c0_i32 = arith.constant 0 : i32
    %c0_i32_0 = arith.constant 0 : i32
    %c0_i32_1 = arith.constant 0 : i32
    return %c0_i32, %arg0, %c0_i32_0 : i32, i32, i32
  }
}

</mosaic_0001>

<sc_bundles>
// kernel: kernel.5.cloned.1.call-start
scs
__scs_entry_jumppad:
0x0: {  	(pc) =	sbr.rel $0x88, $3  }
0x1: {  	(tag) =	ssettag $0x0;
	lr =	simm.s32 $0x1  }
0x2: {  	[smem:$0x3F98] =	sst lr;
	_ =	strace $0xD0000000  }
0x3: {  	_ = 	snop  }
0x4: {  	_ = 	snop  }
0x5: {  	_ = 	snop  }
0x6: {  	_ = 	snop  }
0x7: {  	_ = 	snop  }
__scs_overlays_trampoline_lowered:
0x8: {  	[smem:$0x3FA7] =	sst s0  }
0x9: {  	[smem:$0x3FA8] =	sst s1  }
0xa: {  	[smem:$0x3FA9] =	sst s2  }
0xb: {  	[smem:$0x3FAA] =	sst s3  }
0xc: {  	[smem:$0x3FAB] =	sst s4  }
0xd: {  	[smem:$0x3FAC] =	sst s5  }
0xe: {  	[smem:$0x3FAD] =	sst s6  }
0xf: {  	[smem:$0x3FAE] =	sst s7  }
0x10: {  	[smem:$0x3FAF] =	sst s8  }
0x11: {  	[smem:$0x3FB0] =	sst s9;
	s0 =	simm.s32 @!p0 $0x0  }
0x12: {  	s1 =	sld [smem:$0x3F96];
	s0 =	simm.s32 @p0 $0x1  }
0x13: {  	[smem:$0x3FB1] =	sst s0;
	s0 =	simm.s32 @!p1 $0x0  }
0x14: {  	s2 =	sld [smem:$0x3F95];
	s0 =	simm.s32 @p1 $0x1  }
0x15: {  	[smem:$0x3FB2] =	sst s0;
	s0 =	simm.s32 @!p2 $0x0  }
0x16: {  	s3 =	sld [smem:$0x3FDB];
	s0 =	simm.s32 @p2 $0x1  }
0x17: {  	s4 =	simm.s32 $0x1BF5;
	[smem:$0x3FB4] =	sst s0  }
0x18: {  	s0 =	sld [smem:$0x3F97];
	_ =	swait.ge [sflag:s4], $0x0  }
0x19: {  	s7 =	sld [smem:$0x3F98]  }
0x1a: {  	s8 =	sadd.s32 $0xFFFFE003, lr  }
0x1b: {  	s9 =	sadd.s32 $0xFFFFFEF7, lr;
	s5 =	simm.s32 $0xFFFFFFFF;
	p2 =	slt.u32 s8, $0xFFFFF086  }
0x1c: {  	p1 =	slt.u32 s9, $0xF7A;
	s5 =	simm.s32 @!p2 $0x0  }
0x1d: {  	s5 =	simm.s32 @p1 $0x1;
	p0 =	seq.s32 s7, s2  }
0x1e: {  	s7 =	smul.u32 @!p0 $0xF7A, s2;
	p2 =	seq.s32 @!p0 s5, $0x0  }
0x1f: {  	s9 =	smul.u32 $0xF7A, s1;
	s8 =	simm.s32 @!p0 $0x1BF5;
	p2 =	por !p2, p0  }
0x20: {  	[sflag:s8] =	ssyncset.s32 @!p0 $0xFFFFF086;
	s6 =	sadd.s32 @!p0 s3, s7;
	s7 =	simm.s32 @!p0 $0x108  }
0x21: {  	s3 =	sadd.s32 s3, s9;
	s6 =	sadd.s32 @!p0 $0x88, s6;
	s7 =	simm.s32 @p2 $0x1082  }
0x22: {  	[simem:s7], [sflag:s8] =	dma.local @!p0 [hbm:s6], $0xF7A  }
0x23: {  	s9 =	sor.u32 $0xD0000000, s2;
	s6 =	simm.s32 $0x108;
	_ =	swait.ge @!p0 [sflag:s8], $0x0  }
0x24: {  	s3 =	sadd.s32 $0x88, s3;
	s6 =	simm.s32 @!p1 $0x1082;
	[sflag:s4] =	ssyncset.s32 $0xFFFFF086  }
0x25: {  	[simem:s6], [sflag:s4] =	dma.local [hbm:s3], $0xF7A  }
0x26: {  	[smem:$0x3F98] =	sst s1;
	(tag) =	ssettag s2;
	_ =	strace s9  }
0x27: {  	s1 =	sld [smem:$0x3FA8]  }
0x28: {  	s2 =	sld [smem:$0x3FA9]  }
0x29: {  	s4 =	sld [smem:$0x3FAB]  }
0x2a: {  	p0 =	seq.s32 s5, $0x0;
	s5 =	sld [smem:$0x3FAC]  }
0x2b: {  	s6 =	sld [smem:$0x3FAD]  }
0x2c: {  	s7 =	sld [smem:$0x3FAE]  }
0x2d: {  	s3 =	simm.s32 $0x108;
	s8 =	sld [smem:$0x3FAF]  }
0x2e: {  	s3 =	simm.s32 @!p0 $0x1082;
	s9 =	sld [smem:$0x3FB0]  }
0x2f: {  	lr =	sadd.s32 s0, s3;
	s0 =	sld [smem:$0x3FA7]  }
0x30: {  	s3 =	sld [smem:$0x3FAA]  }
0x31: {  	[smem:$0x3FB3] =	sst s10  }
0x32: {  	s10 =	sld [smem:$0x3FB1];
	_ =	sdelay $0x3  }
0x33: {  	p0 =	seq.s32 s10, $0x1;
	s10 =	sld [smem:$0x3FB3];
	_ =	sdelay $0x3  }
0x34: {  	[smem:$0x3FB3] =	sst s10  }
0x35: {  	s10 =	sld [smem:$0x3FB2];
	_ =	sdelay $0x3  }
0x36: {  	p1 =	seq.s32 s10, $0x1;
	s10 =	sld [smem:$0x3FB3];
	_ =	sdelay $0x3  }
0x37: {  	[smem:$0x3FB3] =	sst s10  }
0x38: {  	s10 =	sld [smem:$0x3FB4]  }
0x39: {  	_ = 	snop;
	(pc) =	sbr.ind lr, $3  }
0x3a: {  	_ = 	snop  }
0x3b: {  	_ = 	snop  }
0x3c: {  	p2 =	seq.s32 s10, $0x1;
	s10 =	sld [smem:$0x3FB3]  }
0x3d: {  	_ =	shalt  }
0x3e: {  	_ =	shalt  }
0x3f: {  	_ =	shalt  }
0x40: {  	_ =	shalt  }
0x41: {  	_ =	shalt  }
0x42: {  	_ =	shalt  }
0x43: {  	_ =	shalt  }
0x44: {  	_ =	shalt  }
0x45: {  	_ =	shalt  }
0x46: {  	_ =	shalt  }
0x47: {  	_ =	shalt  }
0x48: {  	_ =	shalt  }
0x49: {  	_ =	shalt  }
0x4a: {  	_ =	shalt  }
0x4b: {  	_ =	shalt  }
0x4c: {  	_ =	shalt  }
0x4d: {  	_ =	shalt  }
0x4e: {  	_ =	shalt  }
0x4f: {  	_ =	shalt  }
0x50: {  	_ =	shalt  }
0x51: {  	_ =	shalt  }
0x52: {  	_ =	shalt  }
0x53: {  	_ =	shalt  }
0x54: {  	_ =	shalt  }
0x55: {  	_ =	shalt  }
0x56: {  	_ =	shalt  }
0x57: {  	_ =	shalt  }
0x58: {  	_ =	shalt  }
0x59: {  	_ =	shalt  }
0x5a: {  	_ =	shalt  }
0x5b: {  	_ =	shalt  }
0x5c: {  	_ =	shalt  }
0x5d: {  	_ =	shalt  }
0x5e: {  	_ =	shalt  }
0x5f: {  	_ =	shalt  }
0x60: {  	_ =	shalt  }
0x61: {  	_ =	shalt  }
0x62: {  	_ =	shalt  }
0x63: {  	_ =	shalt  }
0x64: {  	_ =	shalt  }
0x65: {  	_ =	shalt  }
0x66: {  	_ =	shalt  }
0x67: {  	_ =	shalt  }
0x68: {  	_ =	shalt  }
0x69: {  	_ =	shalt  }
0x6a: {  	_ =	shalt  }
0x6b: {  	_ =	shalt  }
0x6c: {  	_ =	shalt  }
0x6d: {  	_ =	shalt  }
0x6e: {  	_ =	shalt  }
0x6f: {  	_ =	shalt  }
0x70: {  	_ =	shalt  }
0x71: {  	_ =	shalt  }
0x72: {  	_ =	shalt  }
0x73: {  	_ =	shalt  }
0x74: {  	_ =	shalt  }
0x75: {  	_ =	shalt  }
0x76: {  	_ =	shalt  }
0x77: {  	_ =	shalt  }
0x78: {  	_ =	shalt  }
0x79: {  	_ =	shalt  }
0x7a: {  	_ =	shalt  }
0x7b: {  	_ =	shalt  }
0x7c: {  	_ =	shalt  }
0x7d: {  	_ =	shalt  }
0x7e: {  	_ =	shalt  }
0x7f: {  	_ =	shalt  }
0x80: {  	_ =	shalt  }
0x81: {  	_ =	shalt  }
0x82: {  	_ =	shalt  }
0x83: {  	_ =	shalt  }
0x84: {  	_ =	shalt  }
0x85: {  	_ =	shalt  }
0x86: {  	_ =	shalt  }
0x87: {  	_ =	shalt  }
.Lfunc_end0:
.L_simem_size_0:
called_computation_lowered:
.L_overlay_start_0:
0x88: {  	s2 =	sld [smem:$0x3FD9]  }
0x89: {  	s3 =	sld [smem:$0x3FFE];
	_ =	sdelay $0x1  }
0x8a: {  	s1 =	srdreg.scid  }
0x8b: {  	s0 =	sand.u32 $0x1, s1  }
0x8c: {  	s16 =	sshll.u32 s0, $0xA;
	s2 =	sadd.s32 s3, s2  }
0x8d: {  	s2 =	sadd.s32 s2, s16  }
0x8e: {  	[smem:$0x3FBF] =	sst s2  }
0x8f: {  	_ = 	snop  }
0x90: {  	(tm) =	ssettm $0x1  }
0x91: {  	s17 =	sld [smem:$0x3FFB];
	_ =	sdelay $0x3  }
0x92: {  	_ =	strace s17  }
0x93: {  	s2 =	sld [smem:$0x3FFC];
	_ =	sdelay $0x3  }
0x94: {  	_ =	strace s2  }
0x95: {  	s2 =	sld [smem:$0x3FFD];
	_ =	sdelay $0x3  }
0x96: {  	_ =	strace s2  }
0x97: {  	_ =	strace $0x8FFFFFFF  }
0x98: {  	s18 =	sld [smem:$0x3FDB];
	_ =	sdelay $0x1  }
0x99: {  	s19 =	simm.s32 $_scs_section_size  }
0x9a: {  	s4 =	simm.s32 $_size__tile_overlayer_lowered;
	s5 =	simm.s32 $_tile_overlayer_lowered  }
0x9b: {  	s22 =	simm.s32 $0x1BFF;
	s21 =	sshll.u32 s5, $0x1;
	s2 =	sadd.s32 s19, s18  }
0x9c: {  	s6 =	simm.s32 $0x0;
	s20 =	sshll.u32 s4, $0x1;
	s4 =	sadd.s32 s21, s2  }
0x9d: {  	[timem:s6], [sflag:s22] =	dma.local [hbm:s4], s20  }
0x9e: {  	_ =	swait.ge [sflag:s22], s20  }
0x9f: {  	s3 =	ssub.s32 $0x0, s20;
	[sflag:s22] =	ssyncset.done $0x0  }
0xa0: {  	[sflag:s22] =	ssyncadd.s32 s3;
	_ =	sdelay $0x1  }
0xa1: {  	s23 =	simm.s32 $0x1B8B  }
0xa2: {  	_ =	swait.ge [sflag:s23], $0x1  }
0xa3: {  	[sflag:s23] =	ssyncset.done $0x0  }
0xa4: {  	s25 =	simm.s32 $0x1B8E;
	s24 =	sld [smem:$0x3FFE];
	[sflag:s23] =	ssyncadd.s32 $0xFFFFFFFF  }
0xa5: {  	s26 =	simm.s32 $execute0_lowered;
	[smem:$0x3FD2] =	sst s25  }
0xa6: {  	s4 =	sshll.u32 s26, $0x1;
	_ =	strace $0x80000046;
	[dreg:$0x1] =	wrdreg $0xFFFFFFFF  }
0xa7: {  	s28 =	simm.s32 $_size_execute0_lowered;
	s2 =	sadd.s32 s2, s4;
	[dreg:$0x0] =	wrdreg $0x0  }
0xa8: {  	s4 =	sshll.u32 s28, $0x1;
	[dreg:$0x2] =	wrdreg s2  }
0xa9: {  	[dreg:$0x3] =	wrdreg s4  }
0xaa: {  	[dreg:$0x4] =	wrdreg $0xC0  }
0xab: {  	_ =	task [dreg:s6], $0x5FFFF  }
0xac: {  	[dreg:$0x1] =	wrdreg $0xFFFFFFFF  }
0xad: {  	[dreg:$0x0] =	wrdreg $0x60  }
0xae: {  	[dreg:$0x2] =	wrdreg s24  }
0xaf: {  	[dreg:$0x3] =	wrdreg $0x9  }
0xb0: {  	_ =	task.clear_ibuf [dreg:s6], $0x4FFFF;
	_ =	strace $0x90000046  }
0xb1: {  	s29 =	simm.s32 $0x9;
	_ =	strace $0x80000048  }
0xb2: {  	_ =	swait.ge [sflag:s29], $0x1  }
0xb3: {  	[sflag:s29] =	ssyncadd.s32 $0xFFFFFFFF  }
0xb4: {  	_ =	strace $0x90000048  }
0xb5: {  	_ =	sfence  }
0xb6: {  	s30 =	sld [smem:$0x0];
	_ =	sdelay $0x2  }
0xb7: {  	s31 =	sshll.u32 s1, $0xD;
	s1 =	sshrl.u32 s1, $0x2  }
0xb8: {  	s3 =	sand.u32 $0x4000, s31;
	s1 =	sadd.s32 s1, s30  }
0xb9: {  	s0 =	sor.u32 s3, s0;
	s1 =	sshll.u32 s1, $0x11  }
0xba: {  	s0 =	sor.u32 s1, s0  }
0xbb: {  	s0 =	sadd.s32 $0x8F2B, s0  }
0xbc: {  	[sflag:s0] =	ssyncadd.remote.s32 $0x1  }
0xbd: {  	_ =	sfence.sel $0xFFFF  }
0xbe: {  	[dreg:$0x0] =	wrdreg $0xFFFFFFFF;
	(pc) =	sbr.abs _section_cstart, $3  }
0xbf: {  	[dreg:$0x1] =	wrdreg $0xFFFFFFFF  }
0xc0: {  	_ =	task.clear_ibuf [dreg:s6], $0x2FFFF;
	_ =	strace $0x9FFFFFFF  }
0xc1: {  	(tm) =	ssettm $0x7FFFFFFF  }
tec
execute0_lowered:
.L_overlay_start_1:
0x0: {  	(tag) =	ssettag $0x1  }
0x1: {  	s0 =	rddreg [dreg:$0x0]  }
0x2: {  	s1 =	simm.s32 $0x0;
	s24 =	srdreg.scid;
	s7 =	stileid.u32  }
0x3: {  	s9 =	simm.s32 $0x2;
	s11 =	simm.s32 $0x800;
	s28 =	simm.s32 $0x18210  }
0x4: {  	s29 =	simm.s32 $0xAD00;
	s30 =	simm.s32 $0x18A10;
	s31 =	simm.s32 $0xB500  }
0x5: {  	s8 =	simm.s32 $0x19A10;
	s10 =	simm.s32 $0x1A210;
	s12 =	simm.s32 $0xCD00  }
0x6: {  	s13 =	simm.s32 $0x1AA10;
	s14 =	simm.s32 $0xD500;
	s15 =	simm.s32 $0x1B210  }
0x7: {  	s16 =	simm.s32 $0x1;
	s17 =	simm.s32 $0x1BA10;
	s19 =	simm.s32 $0x0  }
0x8: {  	v1 =	vlaneseq.u32;
	v0 =	vimm.s32 $0x0;
	v2 =	vimm.s32 $0x1;
	[smem:$0x7FF] =	sst s1;
	s2 =	sadd.s32 $0x508200, s0;
	s1 =	sand.u32 $0x1, s24  }
0x9: {  	v3 =	vimm.s32 $0x2;
	v4 =	vimm.s32 $0x3;
	v5 =	vimm.s32 $0x4;
	s4 =	sadd.s32 $0x1200, s0;
	s5 =	sadd.s32 $0xE200, s0;
	s3 =	ssub.s32 $0x2, s1  }
0xa: {  	v6 =	vimm.s32 $0x5;
	v7 =	vimm.s32 $0x6;
	v8 =	vimm.s32 $0x7;
	s6 =	sadd.s32 $0x515200, s0;
	s26 =	sshll.u32 s7, $0xA;
	s25 =	sshrl.u32 s3, $0x1  }
0xb: {  	v9 =	vimm.s32 $0x8;
	v10 =	vimm.s32 $0x9;
	v11 =	vimm.s32 $0xA;
	_ =	strace $0x80000047;
	s1 =	sshll.u32 s1, $0x9;
	s0 =	ssub.s32 s3, s25  }
0xc: {  	v12 =	vimm.s32 $0xB;
	v13 =	vimm.s32 $0xC;
	v14 =	vimm.s32 $0xD;
	s7 =	sor.u32 s1, s26;
	s1 =	simm.s32 $0xC500;
	s0 =	smax.u32 s0, $0x1  }
0xd: {  	v15 =	vimm.s32 $0xE;
	v16 =	vimm.s32 $0xF;
	v1 =	vmul.u32 $0x18800, v1;
	s3 =	simm.s32 $0xBD00;
	[dreg:$0x2] =	wrdreg s0;
	s0 =	simm.s32 $0x19210  }
.LBB2_1:
0xe: {  	[dreg:$0x3] =	wrdreg s19;
	s18 =	simm.s32 $0x0  }
.LBB2_2:
0xf: {  	s19 =	sshll.u32 s18, $0x7  }
0x10: {  	s19 =	sadd.s32 s7, s19  }
0x11: {  	s20 =	smul.u32 $0x1A, s19;
	_ =	sdelay $0x1  }
0x12: {  	s20 =	sshrl.u32 s20, $0x3  }
0x13: {  	s22 =	simm.s32 $0x0;
	s21 =	sadd.s32 s2, s20  }
0x14: {  	[tilespmem:s22], [sflag:$0x2] =	stream.linear.gather [hbm4b:s21+s22], $0xD00, $0x38;
	[tilespmem:$0x1C210] =	vst v63  }
0x15: {  	_ =	swait.ge [sflag:s9], $0xD00  }
0x16: {  	[sflag:s9] =	ssyncset.done $0x0  }
0x17: {  	s25 =	simm.s32 $0xDD00;
	s20 =	sadd.s32 s4, s20;
	[sflag:s9] =	ssyncadd.s32 $0xFFFFF300  }
0x18: {  	[tilespmem:s25], [sflag:$0x2] =	stream.linear.gather [hbm4b:s20+s22], $0xD00, $0x38;
	[tilespmem:$0x1C210] =	vst v63  }
0x19: {  	_ =	swait.ge [sflag:s9], $0xD00  }
0x1a: {  	[sflag:s9] =	ssyncset.done $0x0  }
0x1b: {  	s26 =	simm.s32 $0x0;
	[sflag:s9] =	ssyncadd.s32 $0xFFFFF300  }
0x1c: {  	v17 =	vld [tilespmem:s26+$0x0];
	_ =	sdelay $0x4  }
0x1d: {  	v18 =	vperm.xlane v17, v0  }
0x1e: {  	v19 =	vperm.xlane v17, v2  }
0x1f: {  	s20 =	simm.s32 $0xD80;
	v20 =	vperm.xlane v17, v3;
	v18 =	vadd.s32 v1, v18  }
0x20: {  	v21 =	vperm.xlane v17, v4;
	v19 =	vadd.s32 v1, v19;
	[tilespmem:s20+$0xFFFFFF80] =	vst v18  }
0x21: {  	v58 =	vperm.xlane v17, v6;
	v20 =	vadd.s32 v1, v20;
	[tilespmem:s20+$0xFFFFFF90] =	vst v19  }
0x22: {  	v59 =	vperm.xlane v17, v7;
	v19 =	vadd.s32 v1, v21;
	[tilespmem:s20+$0xFFFFFFA0] =	vst v20  }
0x23: {  	v62 =	vperm.xlane v17, v12;
	v21 =	vadd.s32 v1, v58;
	[tilespmem:s20+$0xFFFFFFB0] =	vst v19  }
0x24: {  	v18 =	vperm.xlane v17, v5;
	v20 =	vadd.s32 v1, v59;
	[tilespmem:s20+$0xFFFFFFD0] =	vst v21  }
0x25: {  	v19 =	vperm.xlane v17, v8;
	[tilespmem:s20+$0xFFFFFFE0] =	vst v20;
	v21 =	vadd.s32 v1, v62  }
0x26: {  	v60 =	vperm.xlane v17, v10;
	v18 =	vadd.s32 v1, v18;
	[tilespmem:s20+$0x30] =	vst v21  }
0x27: {  	[tilespmem:s20+$0xFFFFFFC0] =	vst v18;
	v18 =	vperm.xlane v17, v9;
	v19 =	vadd.s32 v1, v19  }
0x28: {  	v61 =	vperm.xlane v17, v11;
	[tilespmem:s20+$0xFFFFFFF0] =	vst v19;
	v19 =	vadd.s32 v1, v60  }
0x29: {  	v63 =	vperm.xlane v17, v13;
	v18 =	vadd.s32 v1, v18;
	[tilespmem:s20+$0x10] =	vst v19  }
0x2a: {  	v19 =	vperm.xlane v17, v14;
	[tilespmem:s20+$0x0] =	vst v18;
	v18 =	vadd.s32 v1, v61  }
0x2b: {  	v20 =	vadd.s32 v1, v63;
	[tilespmem:s20+$0x20] =	vst v18;
	v18 =	vperm.xlane v17, v15  }
0x2c: {  	[tilespmem:s20+$0x40] =	vst v20;
	v17 =	vperm.xlane v17, v16;
	v19 =	vadd.s32 v1, v19  }
0x2d: {  	[tilespmem:s20+$0x50] =	vst v19;
	v18 =	vadd.s32 v1, v18  }
0x2e: {  	v17 =	vadd.s32 v1, v17;
	[tilespmem:s20+$0x60] =	vst v18  }
0x2f: {  	s21 =	simm.s32 $0x80;
	s22 =	simm.s32 $0x10;
	[tilespmem:s20+$0x70] =	vst v17  }
.LBB2_3:
0x30: {  	p0 =	sne.s32 s21, $0x33C0;
	v17 =	vld [tilespmem:s22+$0x0];
	_ =	sdelay $0x4  }
0x31: {  	v18 =	vperm.xlane v17, v0;
	v19 =	vperm.xlane v17, v2  }
0x32: {  	v20 =	vperm.xlane v17, v3;
	v21 =	vperm.xlane v17, v4  }
0x33: {  	s20 =	sadd.s32 $0x100, s20;
	v22 =	vperm.xlane v17, v5;
	v18 =	vadd.s32 v1, v18;
	v19 =	vadd.s32 v1, v19  }
0x34: {  	[tilespmem:s20+$0xFFFFFF80] =	vst v18;
	v18 =	vadd.s32 v1, v20;
	v20 =	vadd.s32 v1, v21;
	v21 =	vperm.xlane v17, v6  }
0x35: {  	v23 =	vperm.xlane v17, v8;
	[tilespmem:s20+$0xFFFFFF90] =	vst v19;
	v19 =	vadd.s32 v1, v22;
	v22 =	vperm.xlane v17, v7  }
0x36: {  	v24 =	vperm.xlane v17, v10;
	[tilespmem:s20+$0xFFFFFFA0] =	vst v18;
	v18 =	vadd.s32 v1, v21;
	v21 =	vperm.xlane v17, v9  }
0x37: {  	[tilespmem:s20+$0xFFFFFFB0] =	vst v20;
	v20 =	vadd.s32 v1, v22;
	v22 =	vadd.s32 v1, v23;
	v23 =	vperm.xlane v17, v11  }
0x38: {  	[tilespmem:s20+$0xFFFFFFC0] =	vst v19;
	v19 =	vadd.s32 v1, v21;
	v21 =	vadd.s32 v1, v24;
	v24 =	vperm.xlane v17, v12  }
0x39: {  	v25 =	vperm.xlane v17, v14;
	[tilespmem:s20+$0xFFFFFFD0] =	vst v18;
	v18 =	vadd.s32 v1, v23;
	v23 =	vperm.xlane v17, v13  }
0x3a: {  	[tilespmem:s20+$0xFFFFFFE0] =	vst v20;
	v20 =	vadd.s32 v1, v24;
	v24 =	vperm.xlane v17, v15;
	v17 =	vperm.xlane v17, v16  }
0x3b: {  	[tilespmem:s20+$0xFFFFFFF0] =	vst v22;
	v22 =	vadd.s32 v1, v23;
	v23 =	vadd.s32 v1, v25  }
0x3c: {  	[tilespmem:s20+$0x0] =	vst v19;
	v19 =	vadd.s32 v1, v24;
	v17 =	vadd.s32 v1, v17  }
0x3d: {  	[tilespmem:s20+$0x10] =	vst v21  }
0x3e: {  	[tilespmem:s20+$0x20] =	vst v18  }
.Ltmp0:
0x3f: {  	[tilespmem:s20+$0x30] =	vst v20;
	(pc) =	sbr.rel @p0 .LBB2_3-.Ltmp0, $4  }
0x40: {  	[tilespmem:s20+$0x40] =	vst v22  }
0x41: {  	[tilespmem:s20+$0x50] =	vst v23  }
0x42: {  	[tilespmem:s20+$0x60] =	vst v19  }
0x43: {  	s22 =	sshra.s32 s21, $0x2;
	s21 =	sadd.s32 $0x40, s21;
	[tilespmem:s20+$0x70] =	vst v17  }
0x44: {  	v17 =	vld [tilespmem:s22+$0x0];
	_ =	sdelay $0x4  }
0x45: {  	v18 =	vperm.xlane v17, v0  }
0x46: {  	v19 =	vperm.xlane v17, v2  }
0x47: {  	s20 =	sadd.s32 $0x100, s20;
	v20 =	vperm.xlane v17, v3;
	v18 =	vadd.s32 v1, v18  }
0x48: {  	v21 =	vperm.xlane v17, v4;
	v19 =	vadd.s32 v1, v19;
	[tilespmem:s20+$0xFFFFFF80] =	vst v18  }
0x49: {  	v36 =	vperm.xlane v17, v6;
	v20 =	vadd.s32 v1, v20;
	[tilespmem:s20+$0xFFFFFF90] =	vst v19  }
0x4a: {  	v37 =	vperm.xlane v17, v7;
	v19 =	vadd.s32 v1, v21;
	[tilespmem:s20+$0xFFFFFFA0] =	vst v20  }
0x4b: {  	v40 =	vperm.xlane v17, v12;
	v21 =	vadd.s32 v1, v36;
	[tilespmem:s20+$0xFFFFFFB0] =	vst v19  }
0x4c: {  	v18 =	vperm.xlane v17, v5;
	v20 =	vadd.s32 v1, v37;
	[tilespmem:s20+$0xFFFFFFD0] =	vst v21  }
0x4d: {  	v19 =	vperm.xlane v17, v8;
	[tilespmem:s20+$0xFFFFFFE0] =	vst v20;
	v21 =	vadd.s32 v1, v40  }
0x4e: {  	v38 =	vperm.xlane v17, v10;
	v18 =	vadd.s32 v1, v18;
	[tilespmem:s20+$0x30] =	vst v21  }
0x4f: {  	[tilespmem:s20+$0xFFFFFFC0] =	vst v18;
	v18 =	vperm.xlane v17, v9;
	v19 =	vadd.s32 v1, v19  }
0x50: {  	v39 =	vperm.xlane v17, v11;
	[tilespmem:s20+$0xFFFFFFF0] =	vst v19;
	v19 =	vadd.s32 v1, v38  }
0x51: {  	v41 =	vperm.xlane v17, v13;
	v18 =	vadd.s32 v1, v18;
	[tilespmem:s20+$0x10] =	vst v19  }
0x52: {  	v19 =	vperm.xlane v17, v14;
	[tilespmem:s20+$0x0] =	vst v18;
	v18 =	vadd.s32 v1, v39  }
0x53: {  	v20 =	vadd.s32 v1, v41;
	[tilespmem:s20+$0x20] =	vst v18;
	v18 =	vperm.xlane v17, v15  }
0x54: {  	[tilespmem:s20+$0x40] =	vst v20;
	v17 =	vperm.xlane v17, v16;
	v19 =	vadd.s32 v1, v19  }
0x55: {  	[tilespmem:s20+$0x50] =	vst v19;
	v18 =	vadd.s32 v1, v18  }
0x56: {  	v17 =	vadd.s32 v1, v17;
	[tilespmem:s20+$0x60] =	vst v18  }
0x57: {  	s22 =	simm.s32 $0xD00;
	s21 =	simm.s32 $0xEA10;
	[tilespmem:s20+$0x70] =	vst v17  }
0x58: {  	[tilespmem:s21], [sflag:$0x1] =	stream.indirect.gather [hbm4b:s5+s11], $0x1, s22, s11, $0xb8;
	[tilespmem:$0x1C210] =	vst v63  }
0x59: {  	s23 =	simm.s32 $0x1500;
	s24 =	simm.s32 $0xF210  }
0x5a: {  	[tilespmem:s24], [sflag:$0x1] =	stream.indirect.gather [hbm4b:s5+s11], $0x1, s23, s11, $0xb8;
	[tilespmem:$0x1C210] =	vst v63  }
0x5b: {  	s25 =	simm.s32 $0x1D00;
	s26 =	simm.s32 $0xFA10  }
0x5c: {  	[tilespmem:s26], [sflag:$0x1] =	stream.indirect.gather [hbm4b:s5+s11], $0x1, s25, s11, $0xb8;
	[tilespmem:$0x1C210] =	vst v63  }
0x5d: {  	s21 =	simm.s32 $0x2500;
	s22 =	simm.s32 $0x10210  }
0x5e: {  	[tilespmem:s22], [sflag:$0x1] =	stream.indirect.gather [hbm4b:s5+s11], $0x1, s21, s11, $0xb8;
	[tilespmem:$0x1C210] =	vst v63  }
0x5f: {  	s23 =	simm.s32 $0x2D00;
	s24 =	simm.s32 $0x10A10  }
0x60: {  	[tilespmem:s24], [sflag:$0x1] =	stream.indirect.gather [hbm4b:s5+s11], $0x1, s23, s11, $0xb8;
	[tilespmem:$0x1C210] =	vst v63  }
0x61: {  	s25 =	simm.s32 $0x3500;
	s26 =	simm.s32 $0x11210  }
0x62: {  	[tilespmem:s26], [sflag:$0x1] =	stream.indirect.gather [hbm4b:s5+s11], $0x1, s25, s11, $0xb8;
	[tilespmem:$0x1C210] =	vst v63  }
0x63: {  	s21 =	simm.s32 $0x3D00;
	s22 =	simm.s32 $0x11A10  }
0x64: {  	[tilespmem:s22], [sflag:$0x1] =	stream.indirect.gather [hbm4b:s5+s11], $0x1, s21, s11, $0xb8;
	[tilespmem:$0x1C210] =	vst v63  }
0x65: {  	s23 =	simm.s32 $0x4500;
	s24 =	simm.s32 $0x12210  }
0x66: {  	[tilespmem:s24], [sflag:$0x1] =	stream.indirect.gather [hbm4b:s5+s11], $0x1, s23, s11, $0xb8;
	[tilespmem:$0x1C210] =	vst v63  }
0x67: {  	s25 =	simm.s32 $0x4D00;
	s26 =	simm.s32 $0x12A10  }
0x68: {  	[tilespmem:s26], [sflag:$0x1] =	stream.indirect.gather [hbm4b:s5+s11], $0x1, s25, s11, $0xb8;
	[tilespmem:$0x1C210] =	vst v63  }
0x69: {  	s21 =	simm.s32 $0x5500;
	s22 =	simm.s32 $0x13210  }
0x6a: {  	[tilespmem:s22], [sflag:$0x1] =	stream.indirect.gather [hbm4b:s5+s11], $0x1, s21, s11, $0xb8;
	[tilespmem:$0x1C210] =	vst v63  }
0x6b: {  	s23 =	simm.s32 $0x5D00;
	s24 =	simm.s32 $0x13A10  }
0x6c: {  	[tilespmem:s24], [sflag:$0x1] =	stream.indirect.gather [hbm4b:s5+s11], $0x1, s23, s11, $0xb8;
	[tilespmem:$0x1C210] =	vst v63  }
0x6d: {  	s25 =	simm.s32 $0x6500;
	s26 =	simm.s32 $0x14210  }
0x6e: {  	[tilespmem:s26], [sflag:$0x1] =	stream.indirect.gather [hbm4b:s5+s11], $0x1, s25, s11, $0xb8;
	[tilespmem:$0x1C210] =	vst v63  }
0x6f: {  	s21 =	simm.s32 $0x6D00;
	s22 =	simm.s32 $0x14A10  }
0x70: {  	[tilespmem:s22], [sflag:$0x1] =	stream.indirect.gather [hbm4b:s5+s11], $0x1, s21, s11, $0xb8;
	[tilespmem:$0x1C210] =	vst v63  }
0x71: {  	s23 =	simm.s32 $0x7500;
	s24 =	simm.s32 $0x15210  }
0x72: {  	[tilespmem:s24], [sflag:$0x1] =	stream.indirect.gather [hbm4b:s5+s11], $0x1, s23, s11, $0xb8;
	[tilespmem:$0x1C210] =	vst v63  }
0x73: {  	s25 =	simm.s32 $0x7D00;
	s26 =	simm.s32 $0x15A10  }
0x74: {  	[tilespmem:s26], [sflag:$0x1] =	stream.indirect.gather [hbm4b:s5+s11], $0x1, s25, s11, $0xb8;
	[tilespmem:$0x1C210] =	vst v63  }
0x75: {  	s21 =	simm.s32 $0x8500;
	s22 =	simm.s32 $0x16210  }
0x76: {  	[tilespmem:s22], [sflag:$0x1] =	stream.indirect.gather [hbm4b:s5+s11], $0x1, s21, s11, $0xb8;
	[tilespmem:$0x1C210] =	vst v63  }
0x77: {  	s23 =	simm.s32 $0x8D00;
	s24 =	simm.s32 $0x16A10  }
0x78: {  	[tilespmem:s24], [sflag:$0x1] =	stream.indirect.gather [hbm4b:s5+s11], $0x1, s23, s11, $0xb8;
	[tilespmem:$0x1C210] =	vst v63  }
0x79: {  	s25 =	simm.s32 $0x9500;
	s26 =	simm.s32 $0x17210  }
0x7a: {  	[tilespmem:s26], [sflag:$0x1] =	stream.indirect.gather [hbm4b:s5+s11], $0x1, s25, s11, $0xb8;
	[tilespmem:$0x1C210] =	vst v63  }
0x7b: {  	s21 =	simm.s32 $0x9D00;
	s22 =	simm.s32 $0x17A10  }
0x7c: {  	[tilespmem:s22], [sflag:$0x1] =	stream.indirect.gather [hbm4b:s5+s11], $0x1, s21, s11, $0xb8;
	[tilespmem:$0x1C210] =	vst v63  }
0x7d: {  	s23 =	simm.s32 $0xA500  }
0x7e: {  	[tilespmem:s28], [sflag:$0x1] =	stream.indirect.gather [hbm4b:s5+s11], $0x1, s23, s11, $0xb8;
	[tilespmem:$0x1C210] =	vst v63  }
0x7f: {  	_ = 	snop  }
0x80: {  	[tilespmem:s30], [sflag:$0x1] =	stream.indirect.gather [hbm4b:s5+s11], $0x1, s29, s11, $0xb8;
	[tilespmem:$0x1C210] =	vst v63  }
0x81: {  	_ = 	snop  }
0x82: {  	[tilespmem:s0], [sflag:$0x1] =	stream.indirect.gather [hbm4b:s5+s11], $0x1, s31, s11, $0xb8;
	[tilespmem:$0x1C210] =	vst v63  }
0x83: {  	_ = 	snop  }
0x84: {  	[tilespmem:s8], [sflag:$0x1] =	stream.indirect.gather [hbm4b:s5+s11], $0x1, s3, s11, $0xb8;
	[tilespmem:$0x1C210] =	vst v63  }
0x85: {  	_ = 	snop  }
0x86: {  	[tilespmem:s10], [sflag:$0x1] =	stream.indirect.gather [hbm4b:s5+s11], $0x1, s1, s11, $0xb8;
	[tilespmem:$0x1C210] =	vst v63  }
0x87: {  	_ = 	snop  }
0x88: {  	[tilespmem:s13], [sflag:$0x1] =	stream.indirect.gather [hbm4b:s5+s11], $0x1, s12, s11, $0xb8;
	[tilespmem:$0x1C210] =	vst v63  }
0x89: {  	_ = 	snop  }
0x8a: {  	[tilespmem:s15], [sflag:$0x1] =	stream.indirect.gather [hbm4b:s5+s11], $0x1, s14, s11, $0xb8;
	[tilespmem:$0x1C210] =	vst v63  }
0x8b: {  	_ =	swait.ge [sflag:s16], $0x800  }
0x8c: {  	[sflag:s16] =	ssyncset.done $0x0  }
0x8d: {  	[sflag:s16] =	ssyncadd.s32 $0xFFFFF800  }
0x8e: {  	_ =	swait.ge [sflag:s16], $0x800  }
0x8f: {  	[sflag:s16] =	ssyncset.done $0x0  }
0x90: {  	[sflag:s16] =	ssyncadd.s32 $0xFFFFF800  }
0x91: {  	_ =	swait.ge [sflag:s16], $0x800  }
0x92: {  	[sflag:s16] =	ssyncset.done $0x0  }
0x93: {  	[sflag:s16] =	ssyncadd.s32 $0xFFFFF800  }
0x94: {  	_ =	swait.ge [sflag:s16], $0x800  }
0x95: {  	[sflag:s16] =	ssyncset.done $0x0  }
0x96: {  	[sflag:s16] =	ssyncadd.s32 $0xFFFFF800  }
0x97: {  	_ =	swait.ge [sflag:s16], $0x800  }
0x98: {  	[sflag:s16] =	ssyncset.done $0x0  }
0x99: {  	[sflag:s16] =	ssyncadd.s32 $0xFFFFF800  }
0x9a: {  	_ =	swait.ge [sflag:s16], $0x800  }
0x9b: {  	[sflag:s16] =	ssyncset.done $0x0  }
0x9c: {  	[sflag:s16] =	ssyncadd.s32 $0xFFFFF800  }
0x9d: {  	_ =	swait.ge [sflag:s16], $0x800  }
0x9e: {  	[sflag:s16] =	ssyncset.done $0x0  }
0x9f: {  	[sflag:s16] =	ssyncadd.s32 $0xFFFFF800  }
0xa0: {  	_ =	swait.ge [sflag:s16], $0x800  }
0xa1: {  	[sflag:s16] =	ssyncset.done $0x0  }
0xa2: {  	[sflag:s16] =	ssyncadd.s32 $0xFFFFF800  }
0xa3: {  	_ =	swait.ge [sflag:s16], $0x800  }
0xa4: {  	[sflag:s16] =	ssyncset.done $0x0  }
0xa5: {  	[sflag:s16] =	ssyncadd.s32 $0xFFFFF800  }
0xa6: {  	_ =	swait.ge [sflag:s16], $0x800  }
0xa7: {  	[sflag:s16] =	ssyncset.done $0x0  }
0xa8: {  	[sflag:s16] =	ssyncadd.s32 $0xFFFFF800  }
0xa9: {  	_ =	swait.ge [sflag:s16], $0x800  }
0xaa: {  	[sflag:s16] =	ssyncset.done $0x0  }
0xab: {  	[sflag:s16] =	ssyncadd.s32 $0xFFFFF800  }
0xac: {  	_ =	swait.ge [sflag:s16], $0x800  }
0xad: {  	[sflag:s16] =	ssyncset.done $0x0  }
0xae: {  	[sflag:s16] =	ssyncadd.s32 $0xFFFFF800  }
0xaf: {  	_ =	swait.ge [sflag:s16], $0x800  }
0xb0: {  	[sflag:s16] =	ssyncset.done $0x0  }
0xb1: {  	[sflag:s16] =	ssyncadd.s32 $0xFFFFF800  }
0xb2: {  	_ =	swait.ge [sflag:s16], $0x800  }
0xb3: {  	[sflag:s16] =	ssyncset.done $0x0  }
0xb4: {  	[sflag:s16] =	ssyncadd.s32 $0xFFFFF800  }
0xb5: {  	_ =	swait.ge [sflag:s16], $0x800  }
0xb6: {  	[sflag:s16] =	ssyncset.done $0x0  }
0xb7: {  	[sflag:s16] =	ssyncadd.s32 $0xFFFFF800  }
0xb8: {  	_ =	swait.ge [sflag:s16], $0x800  }
0xb9: {  	[sflag:s16] =	ssyncset.done $0x0  }
0xba: {  	[sflag:s16] =	ssyncadd.s32 $0xFFFFF800  }
0xbb: {  	_ =	swait.ge [sflag:s16], $0x800  }
0xbc: {  	[sflag:s16] =	ssyncset.done $0x0  }
0xbd: {  	[sflag:s16] =	ssyncadd.s32 $0xFFFFF800  }
0xbe: {  	_ =	swait.ge [sflag:s16], $0x800  }
0xbf: {  	[sflag:s16] =	ssyncset.done $0x0  }
0xc0: {  	[sflag:s16] =	ssyncadd.s32 $0xFFFFF800  }
0xc1: {  	_ =	swait.ge [sflag:s16], $0x800  }
0xc2: {  	[sflag:s16] =	ssyncset.done $0x0  }
0xc3: {  	[sflag:s16] =	ssyncadd.s32 $0xFFFFF800  }
0xc4: {  	_ =	swait.ge [sflag:s16], $0x800  }
0xc5: {  	[sflag:s16] =	ssyncset.done $0x0  }
0xc6: {  	[sflag:s16] =	ssyncadd.s32 $0xFFFFF800  }
0xc7: {  	_ =	swait.ge [sflag:s16], $0x800  }
0xc8: {  	[sflag:s16] =	ssyncset.done $0x0  }
0xc9: {  	[sflag:s16] =	ssyncadd.s32 $0xFFFFF800  }
0xca: {  	_ =	swait.ge [sflag:s16], $0x800  }
0xcb: {  	[sflag:s16] =	ssyncset.done $0x0  }
0xcc: {  	[sflag:s16] =	ssyncadd.s32 $0xFFFFF800  }
0xcd: {  	_ =	swait.ge [sflag:s16], $0x800  }
0xce: {  	[sflag:s16] =	ssyncset.done $0x0  }
0xcf: {  	[sflag:s16] =	ssyncadd.s32 $0xFFFFF800  }
0xd0: {  	_ =	swait.ge [sflag:s16], $0x800  }
0xd1: {  	[sflag:s16] =	ssyncset.done $0x0  }
0xd2: {  	[sflag:s16] =	ssyncadd.s32 $0xFFFFF800  }
0xd3: {  	_ =	swait.ge [sflag:s16], $0x800  }
0xd4: {  	[sflag:s16] =	ssyncset.done $0x0  }
0xd5: {  	[sflag:s16] =	ssyncadd.s32 $0xFFFFF800  }
0xd6: {  	_ =	swait.ge [sflag:s16], $0x800  }
0xd7: {  	[sflag:s16] =	ssyncset.done $0x0  }
0xd8: {  	s24 =	simm.s32 $0xDD00;
	[sflag:s16] =	ssyncadd.s32 $0xFFFFF800  }
0xd9: {  	v17 =	vld [tilespmem:s24+$0x0]  }
0xda: {  	s20 =	simm.s32 $0xEAE0  }
0xdb: {  	v18 =	vld [tilespmem:s20+$0xFFFFFF30];
	_ =	sdelay $0x1  }
0xdc: {  	v19 =	vld [tilespmem:s20+$0xFFFFFF40]  }
0xdd: {  	v43 =	vld [tilespmem:s20+$0xFFFFFF50];
	v42 =	vperm.xlane v17, v0;
	_ =	sdelay $0x1  }
0xde: {  	v22 =	vld [tilespmem:s20+$0xFFFFFF60];
	v44 =	vperm.xlane v17, v2;
	v18 =	vmul.f32 v18, v42  }
0xdf: {  	v23 =	vperm.xlane v17, v3  }
0xe0: {  	v45 =	vld [tilespmem:s20+$0xFFFFFF70];
	v19 =	vmul.f32 v19, v44;
	v24 =	vadd.f32 $0.0e+00, v18  }
0xe1: {  	v46 =	vperm.xlane v17, v4;
	v21 =	vmul.f32 v43, v23  }
0xe2: {  	v25 =	vld [tilespmem:s20+$0xFFFFFF80];
	v18 =	vmul.f32 v18, v18;
	v24 =	vadd.f32 v19, v24;
	v19 =	vmul.f32 v19, v19  }
0xe3: {  	v47 =	vperm.xlane v17, v5;
	v22 =	vmul.f32 v22, v46  }
0xe4: {  	v18 =	vadd.f32 v19, v18;
	v19 =	vadd.f32 v21, v24;
	v21 =	vmul.f32 v21, v21  }
0xe5: {  	v48 =	vld [tilespmem:s20+$0xFFFFFF90];
	v49 =	vperm.xlane v17, v6;
	v20 =	vmul.f32 v45, v47  }
0xe6: {  	v51 =	vld [tilespmem:s20+$0xFFFFFFA0];
	v50 =	vmul.f32 v22, v22;
	v18 =	vadd.f32 v21, v18;
	v19 =	vadd.f32 v22, v19  }
0xe7: {  	v52 =	vperm.xlane v17, v7;
	v23 =	vmul.f32 v25, v49  }
0xe8: {  	v53 =	vld [tilespmem:s20+$0xFFFFFFB0];
	v18 =	vadd.f32 v50, v18;
	v19 =	vadd.f32 v20, v19;
	v20 =	vmul.f32 v20, v20  }
0xe9: {  	v54 =	vperm.xlane v17, v8;
	v55 =	vmul.f32 v23, v23  }
0xea: {  	v24 =	vmul.f32 v48, v52;
	v18 =	vadd.f32 v20, v18;
	v19 =	vadd.f32 v23, v19  }
0xeb: {  	v56 =	vld [tilespmem:s20+$0xFFFFFFC0];
	v57 =	vperm.xlane v17, v9;
	v22 =	vmul.f32 v51, v54  }
0xec: {  	v59 =	vld [tilespmem:s20+$0xFFFFFFD0];
	v58 =	vmul.f32 v24, v24;
	v18 =	vadd.f32 v55, v18;
	v19 =	vadd.f32 v24, v19  }
0xed: {  	v60 =	vperm.xlane v17, v10;
	v21 =	vmul.f32 v53, v57  }
0xee: {  	v62 =	vld [tilespmem:s20+$0xFFFFFFE0];
	v61 =	vmul.f32 v22, v22;
	v18 =	vadd.f32 v58, v18;
	v19 =	vadd.f32 v22, v19  }
0xef: {  	v63 =	vperm.xlane v17, v11;
	v28 =	vmul.f32 v21, v21  }
0xf0: {  	v29 =	vld [tilespmem:s20+$0xFFFFFFF0];
	v23 =	vmul.f32 v56, v60;
	v18 =	vadd.f32 v61, v18;
	v19 =	vadd.f32 v21, v19  }
0xf1: {  	v30 =	vperm.xlane v17, v12;
	v24 =	vmul.f32 v59, v63  }
0xf2: {  	v32 =	vld [tilespmem:s20+$0x0];
	v31 =	vmul.f32 v23, v23;
	v18 =	vadd.f32 v28, v18;
	v19 =	vadd.f32 v23, v19  }
0xf3: {  	s25 =	simm.s32 $0x10;
	s26 =	simm.s32 $0x0;
	v33 =	vperm.xlane v17, v13;
	v22 =	vmul.f32 v62, v30  }
0xf4: {  	s21 =	sand.u32 $0x1FF8, s25;
	s22 =	sand.u32 $0x6, s26;
	v35 =	vld [tilespmem:s20+$0x10];
	v34 =	vmul.f32 v24, v24;
	v18 =	vadd.f32 v31, v18;
	v19 =	vadd.f32 v24, v19  }
0xf5: {  	s21 =	sor.u32 s22, s21;
	v26 =	vld [tilespmem:s20+$0x20];
	v36 =	vperm.xlane v17, v14;
	v21 =	vmul.f32 v29, v33  }
0xf6: {  	v27 =	vld [tilespmem:s21+$0xDD00];
	v37 =	vmul.f32 v22, v22;
	v18 =	vadd.f32 v34, v18;
	v19 =	vadd.f32 v22, v19  }
0xf7: {  	v39 =	vperm.xlane v17, v15;
	v38 =	vmul.f32 v32, v36  }
0xf8: {  	v41 =	vld [tilespmem:s20+$0x30];
	v40 =	vmul.f32 v21, v21;
	v18 =	vadd.f32 v37, v18;
	v19 =	vadd.f32 v21, v19  }
0xf9: {  	v17 =	vperm.xlane v17, v16;
	v42 =	vmul.f32 v38, v38  }
0xfa: {  	v43 =	vld [tilespmem:s20+$0x40];
	v23 =	vmul.f32 v35, v39;
	v18 =	vadd.f32 v40, v18;
	v19 =	vadd.f32 v38, v19  }
0xfb: {  	v17 =	vmul.f32 v26, v17;
	v44 =	vperm.xlane v27, v0  }
0xfc: {  	v46 =	vld [tilespmem:s20+$0x50];
	v45 =	vmul.f32 v23, v23;
	v18 =	vadd.f32 v42, v18;
	v19 =	vadd.f32 v23, v19  }
0xfd: {  	v47 =	vperm.xlane v27, v2;
	v21 =	vmul.f32 v41, v44  }
0xfe: {  	v48 =	vld [tilespmem:s20+$0x60];
	v18 =	vadd.f32 v45, v18;
	v19 =	vadd.f32 v17, v19;
	v17 =	vmul.f32 v17, v17  }
0xff: {  	v49 =	vperm.xlane v27, v3;
	v22 =	vmul.f32 v43, v47  }
0x100: {  	v50 =	vld [tilespmem:s20+$0x70];
	v17 =	vadd.f32 v17, v18;
	v18 =	vadd.f32 v21, v19;
	v19 =	vmul.f32 v21, v21  }
0x101: {  	v51 =	vperm.xlane v27, v4;
	v23 =	vmul.f32 v46, v49  }
0x102: {  	v52 =	vld [tilespmem:s20+$0x80];
	v17 =	vadd.f32 v19, v17;
	v18 =	vadd.f32 v22, v18;
	v19 =	vmul.f32 v22, v22  }
0x103: {  	v53 =	vperm.xlane v27, v5;
	v20 =	vmul.f32 v48, v51  }
0x104: {  	v54 =	vld [tilespmem:s20+$0x90];
	v17 =	vadd.f32 v19, v17;
	v18 =	vadd.f32 v23, v18;
	v19 =	vmul.f32 v23, v23  }
0x105: {  	v55 =	vperm.xlane v27, v6;
	v21 =	vmul.f32 v50, v53  }
0x106: {  	v56 =	vld [tilespmem:s20+$0xA0];
	v17 =	vadd.f32 v19, v17;
	v18 =	vadd.f32 v20, v18;
	v19 =	vmul.f32 v20, v20  }
0x107: {  	v57 =	vperm.xlane v27, v7;
	v22 =	vmul.f32 v52, v55  }
0x108: {  	v58 =	vld [tilespmem:s20+$0xB0];
	v17 =	vadd.f32 v19, v17;
	v18 =	vadd.f32 v21, v18;
	v19 =	vmul.f32 v21, v21  }
0x109: {  	v59 =	vperm.xlane v27, v8;
	v23 =	vmul.f32 v54, v57  }
0x10a: {  	v60 =	vld [tilespmem:s20+$0xC0];
	v17 =	vadd.f32 v19, v17;
	v18 =	vadd.f32 v22, v18;
	v19 =	vmul.f32 v22, v22  }
0x10b: {  	v61 =	vperm.xlane v27, v9;
	v20 =	vmul.f32 v56, v59  }
0x10c: {  	v17 =	vadd.f32 v19, v17;
	v18 =	vadd.f32 v23, v18;
	v19 =	vmul.f32 v23, v23  }
0x10d: {  	v62 =	vperm.xlane v27, v10;
	v21 =	vmul.f32 v58, v61  }
0x10e: {  	v17 =	vadd.f32 v19, v17;
	v18 =	vadd.f32 v20, v18;
	v19 =	vmul.f32 v20, v20  }
0x10f: {  	v63 =	vmul.f32 v60, v62  }
0x110: {  	v17 =	vadd.f32 v19, v17;
	v18 =	vadd.f32 v21, v18;
	v19 =	vmul.f32 v21, v21;
	_ =	sdelay $0x1  }
0x111: {  	v17 =	vadd.f32 v19, v17;
	v18 =	vadd.f32 v63, v18;
	v19 =	vmul.f32 v63, v63;
	_ =	sdelay $0x1  }
0x112: {  	v17 =	vadd.f32 v19, v17;
	v18 =	vmul.f32 v18, v18;
	_ =	sdelay $0x1  }
0x113: {  	v17 =	vsub.f32 v18, v17;
	_ =	sdelay $0x1  }
0x114: {  	v17 =	vmul.f32 $5.000000000e-01, v17  }
0x115: {  	s21 =	simm.s32 $0x1BA10  }
0x116: {  	s23 =	simm.s32 $0xDD1A;
	[tilespmem:s21+$0x0] =	vst v17  }
0x117: {  	s22 =	simm.s32 $0x2A;
	s24 =	simm.s32 $0x44;
	v17 =	vld [tilespmem:s23+$0x0]  }
.LBB2_5:
0x118: {  	p0 =	sne.s32 s24, $0xCF6;
	s20 =	sadd.s32 $0x1A0, s20  }
0x119: {  	v18 =	vld [tilespmem:s20+$0xFFFFFF30];
	_ =	sdelay $0x1  }
0x11a: {  	v19 =	vld [tilespmem:s20+$0xFFFFFF40]  }
0x11b: {  	v20 =	vperm.xlane v17, v0;
	v21 =	vld [tilespmem:s20+$0xFFFFFF50];
	_ =	sdelay $0x1  }
0x11c: {  	v18 =	vmul.f32 v18, v20;
	v20 =	vperm.xlane v17, v2;
	v22 =	vld [tilespmem:s20+$0xFFFFFF60]  }
0x11d: {  	v23 =	vperm.xlane v17, v3  }
0x11e: {  	v24 =	vadd.f32 $0.0e+00, v18;
	v19 =	vmul.f32 v19, v20;
	v20 =	vld [tilespmem:s20+$0xFFFFFF70]  }
0x11f: {  	v21 =	vmul.f32 v21, v23;
	v23 =	vperm.xlane v17, v4  }
0x120: {  	v18 =	vmul.f32 v18, v18;
	v24 =	vadd.f32 v19, v24;
	v19 =	vmul.f32 v19, v19;
	v25 =	vld [tilespmem:s20+$0xFFFFFF80]  }
0x121: {  	v22 =	vmul.f32 v22, v23;
	v23 =	vperm.xlane v17, v5  }
0x122: {  	v18 =	vadd.f32 v19, v18;
	v19 =	vadd.f32 v21, v24;
	v21 =	vmul.f32 v21, v21;
	v24 =	vld [tilespmem:s20+$0xFFFFFF90]  }
0x123: {  	v20 =	vmul.f32 v20, v23;
	v23 =	vperm.xlane v17, v6  }
0x124: {  	v18 =	vadd.f32 v21, v18;
	v19 =	vadd.f32 v22, v19;
	v21 =	vmul.f32 v22, v22;
	v22 =	vld [tilespmem:s20+$0xFFFFFFA0]  }
0x125: {  	v23 =	vmul.f32 v25, v23;
	v25 =	vperm.xlane v17, v7  }
0x126: {  	v18 =	vadd.f32 v21, v18;
	v19 =	vadd.f32 v20, v19;
	v20 =	vmul.f32 v20, v20;
	v21 =	vld [tilespmem:s20+$0xFFFFFFB0]  }
0x127: {  	v24 =	vmul.f32 v24, v25;
	v25 =	vperm.xlane v17, v8  }
0x128: {  	v18 =	vadd.f32 v20, v18;
	v19 =	vadd.f32 v23, v19;
	v20 =	vmul.f32 v23, v23;
	v23 =	vld [tilespmem:s20+$0xFFFFFFC0]  }
0x129: {  	v22 =	vmul.f32 v22, v25;
	v25 =	vperm.xlane v17, v9  }
0x12a: {  	v18 =	vadd.f32 v20, v18;
	v19 =	vadd.f32 v24, v19;
	v20 =	vmul.f32 v24, v24;
	v24 =	vld [tilespmem:s20+$0xFFFFFFD0]  }
0x12b: {  	v21 =	vmul.f32 v21, v25;
	v25 =	vperm.xlane v17, v10  }
0x12c: {  	v18 =	vadd.f32 v20, v18;
	v19 =	vadd.f32 v22, v19;
	v20 =	vmul.f32 v22, v22;
	v22 =	vld [tilespmem:s20+$0xFFFFFFE0]  }
0x12d: {  	v23 =	vmul.f32 v23, v25;
	v25 =	vperm.xlane v17, v11  }
0x12e: {  	v18 =	vadd.f32 v20, v18;
	v19 =	vadd.f32 v21, v19;
	v20 =	vmul.f32 v21, v21;
	v21 =	vld [tilespmem:s20+$0xFFFFFFF0]  }
0x12f: {  	v24 =	vmul.f32 v24, v25;
	v25 =	vperm.xlane v17, v12  }
0x130: {  	v18 =	vadd.f32 v20, v18;
	v19 =	vadd.f32 v23, v19;
	v20 =	vmul.f32 v23, v23;
	v23 =	vld [tilespmem:s20+$0x0]  }
0x131: {  	s25 =	sadd.s32 $0xFFFFFFF0, s22;
	v22 =	vmul.f32 v22, v25;
	v25 =	vperm.xlane v17, v13  }
0x132: {  	s26 =	sand.u32 $0x1FF8, s22;
	s22 =	smov.u32 s24;
	s25 =	sand.u32 $0x6, s25;
	v18 =	vadd.f32 v20, v18;
	v19 =	vadd.f32 v24, v19;
	v20 =	vmul.f32 v24, v24;
	v24 =	vld [tilespmem:s20+$0x10]  }
0x133: {  	s25 =	sor.u32 s25, s26;
	v21 =	vmul.f32 v21, v25;
	v25 =	vperm.xlane v17, v14;
	v26 =	vld [tilespmem:s20+$0x20]  }
0x134: {  	v27 =	vld [tilespmem:s25+$0xDD00];
	v18 =	vadd.f32 v20, v18;
	v19 =	vadd.f32 v22, v19;
	v20 =	vmul.f32 v22, v22  }
0x135: {  	v22 =	vmul.f32 v23, v25;
	v23 =	vperm.xlane v17, v15  }
0x136: {  	v18 =	vadd.f32 v20, v18;
	v19 =	vadd.f32 v21, v19;
	v20 =	vmul.f32 v21, v21;
	v21 =	vld [tilespmem:s20+$0x30]  }
0x137: {  	v17 =	vperm.xlane v17, v16;
	v23 =	vmul.f32 v24, v23  }
0x138: {  	v18 =	vadd.f32 v20, v18;
	v19 =	vadd.f32 v22, v19;
	v20 =	vmul.f32 v22, v22;
	v22 =	vld [tilespmem:s20+$0x40]  }
0x139: {  	v17 =	vmul.f32 v26, v17;
	v24 =	vperm.xlane v27, v0  }
0x13a: {  	v18 =	vadd.f32 v20, v18;
	v19 =	vadd.f32 v23, v19;
	v20 =	vmul.f32 v23, v23;
	v23 =	vld [tilespmem:s20+$0x50]  }
0x13b: {  	v21 =	vmul.f32 v21, v24;
	v24 =	vperm.xlane v27, v2  }
0x13c: {  	v18 =	vadd.f32 v20, v18;
	v19 =	vadd.f32 v17, v19;
	v17 =	vmul.f32 v17, v17;
	v20 =	vld [tilespmem:s20+$0x60]  }
0x13d: {  	v22 =	vmul.f32 v22, v24;
	v24 =	vperm.xlane v27, v3  }
0x13e: {  	v17 =	vadd.f32 v17, v18;
	v18 =	vadd.f32 v21, v19;
	v19 =	vmul.f32 v21, v21;
	v21 =	vld [tilespmem:s20+$0x70]  }
0x13f: {  	v23 =	vmul.f32 v23, v24;
	v24 =	vperm.xlane v27, v4  }
0x140: {  	v17 =	vadd.f32 v19, v17;
	v18 =	vadd.f32 v22, v18;
	v19 =	vmul.f32 v22, v22;
	v22 =	vld [tilespmem:s20+$0x80]  }
0x141: {  	v20 =	vmul.f32 v20, v24;
	v24 =	vperm.xlane v27, v5  }
0x142: {  	v17 =	vadd.f32 v19, v17;
	v18 =	vadd.f32 v23, v18;
	v19 =	vmul.f32 v23, v23;
	v23 =	vld [tilespmem:s20+$0x90]  }
0x143: {  	v21 =	vmul.f32 v21, v24;
	v24 =	vperm.xlane v27, v6  }
0x144: {  	v17 =	vadd.f32 v19, v17;
	v18 =	vadd.f32 v20, v18;
	v19 =	vmul.f32 v20, v20;
	v20 =	vld [tilespmem:s20+$0xA0]  }
0x145: {  	v22 =	vmul.f32 v22, v24;
	v24 =	vperm.xlane v27, v7  }
0x146: {  	v17 =	vadd.f32 v19, v17;
	v18 =	vadd.f32 v21, v18;
	v19 =	vmul.f32 v21, v21;
	v21 =	vld [tilespmem:s20+$0xB0]  }
0x147: {  	v23 =	vmul.f32 v23, v24;
	v24 =	vperm.xlane v27, v8  }
0x148: {  	v17 =	vadd.f32 v19, v17;
	v18 =	vadd.f32 v22, v18;
	v19 =	vmul.f32 v22, v22;
	v22 =	vld [tilespmem:s20+$0xC0]  }
0x149: {  	v20 =	vmul.f32 v20, v24;
	v24 =	vperm.xlane v27, v9  }
0x14a: {  	v17 =	vadd.f32 v19, v17;
	v18 =	vadd.f32 v23, v18;
	v19 =	vmul.f32 v23, v23  }
0x14b: {  	v23 =	vperm.xlane v27, v10;
	v21 =	vmul.f32 v21, v24  }
0x14c: {  	v17 =	vadd.f32 v19, v17;
	v18 =	vadd.f32 v20, v18;
	v19 =	vmul.f32 v20, v20  }
0x14d: {  	v20 =	vmul.f32 v22, v23  }
0x14e: {  	v17 =	vadd.f32 v19, v17;
	v18 =	vadd.f32 v21, v18;
	v19 =	vmul.f32 v21, v21;
	_ =	sdelay $0x1  }
0x14f: {  	v17 =	vadd.f32 v19, v17;
	v18 =	vadd.f32 v20, v18;
	v19 =	vmul.f32 v20, v20;
	_ =	sdelay $0x1  }
0x150: {  	v17 =	vadd.f32 v19, v17;
	v18 =	vmul.f32 v18, v18;
	_ =	sdelay $0x1  }
0x151: {  	v17 =	vsub.f32 v18, v17  }
.Ltmp1:
0x152: {  	(pc) =	sbr.rel @p0 .LBB2_5-.Ltmp1, $4  }
0x153: {  	v17 =	vmul.f32 $5.000000000e-01, v17  }
0x154: {  	s21 =	sadd.s32 $0x10, s21  }
0x155: {  	s23 =	sadd.s32 $0x1A, s23;
	[tilespmem:s21+$0x0] =	vst v17  }
0x156: {  	s24 =	sadd.s32 $0x1A, s24;
	v17 =	vld [tilespmem:s23+$0x0]  }
0x157: {  	s20 =	sadd.s32 $0x1A0, s20  }
0x158: {  	v18 =	vld [tilespmem:s20+$0xFFFFFF30];
	_ =	sdelay $0x1  }
0x159: {  	v19 =	vld [tilespmem:s20+$0xFFFFFF40]  }
0x15a: {  	v21 =	vld [tilespmem:s20+$0xFFFFFF50];
	v20 =	vperm.xlane v17, v0;
	_ =	sdelay $0x1  }
0x15b: {  	v22 =	vld [tilespmem:s20+$0xFFFFFF60];
	v44 =	vperm.xlane v17, v2;
	v18 =	vmul.f32 v18, v20  }
0x15c: {  	v23 =	vperm.xlane v17, v3  }
0x15d: {  	v45 =	vld [tilespmem:s20+$0xFFFFFF70];
	v19 =	vmul.f32 v19, v44;
	v24 =	vadd.f32 $0.0e+00, v18  }
0x15e: {  	v46 =	vperm.xlane v17, v4;
	v21 =	vmul.f32 v21, v23  }
0x15f: {  	v25 =	vld [tilespmem:s20+$0xFFFFFF80];
	v18 =	vmul.f32 v18, v18;
	v24 =	vadd.f32 v19, v24;
	v19 =	vmul.f32 v19, v19  }
0x160: {  	v47 =	vperm.xlane v17, v5;
	v22 =	vmul.f32 v22, v46  }
0x161: {  	v18 =	vadd.f32 v19, v18;
	v19 =	vadd.f32 v21, v24;
	v21 =	vmul.f32 v21, v21  }
0x162: {  	v48 =	vld [tilespmem:s20+$0xFFFFFF90];
	v49 =	vperm.xlane v17, v6;
	v20 =	vmul.f32 v45, v47  }
0x163: {  	v51 =	vld [tilespmem:s20+$0xFFFFFFA0];
	v50 =	vmul.f32 v22, v22;
	v18 =	vadd.f32 v21, v18;
	v19 =	vadd.f32 v22, v19  }
0x164: {  	v52 =	vperm.xlane v17, v7;
	v23 =	vmul.f32 v25, v49  }
0x165: {  	v53 =	vld [tilespmem:s20+$0xFFFFFFB0];
	v18 =	vadd.f32 v50, v18;
	v19 =	vadd.f32 v20, v19;
	v20 =	vmul.f32 v20, v20  }
0x166: {  	v54 =	vperm.xlane v17, v8;
	v55 =	vmul.f32 v23, v23  }
0x167: {  	v24 =	vmul.f32 v48, v52;
	v18 =	vadd.f32 v20, v18;
	v19 =	vadd.f32 v23, v19  }
0x168: {  	v56 =	vld [tilespmem:s20+$0xFFFFFFC0];
	v57 =	vperm.xlane v17, v9;
	v22 =	vmul.f32 v51, v54  }
0x169: {  	v59 =	vld [tilespmem:s20+$0xFFFFFFD0];
	v58 =	vmul.f32 v24, v24;
	v18 =	vadd.f32 v55, v18;
	v19 =	vadd.f32 v24, v19  }
0x16a: {  	v60 =	vperm.xlane v17, v10;
	v21 =	vmul.f32 v53, v57  }
0x16b: {  	v62 =	vld [tilespmem:s20+$0xFFFFFFE0];
	v61 =	vmul.f32 v22, v22;
	v18 =	vadd.f32 v58, v18;
	v19 =	vadd.f32 v22, v19  }
0x16c: {  	v63 =	vperm.xlane v17, v11;
	v28 =	vmul.f32 v21, v21  }
0x16d: {  	v29 =	vld [tilespmem:s20+$0xFFFFFFF0];
	v23 =	vmul.f32 v56, v60;
	v18 =	vadd.f32 v61, v18;
	v19 =	vadd.f32 v21, v19  }
0x16e: {  	v30 =	vperm.xlane v17, v12;
	v24 =	vmul.f32 v59, v63  }
0x16f: {  	v32 =	vld [tilespmem:s20+$0x0];
	v31 =	vmul.f32 v23, v23;
	v18 =	vadd.f32 v28, v18;
	v19 =	vadd.f32 v23, v19  }
0x170: {  	s23 =	sadd.s32 $0xFFFFFFF0, s22;
	v33 =	vperm.xlane v17, v13;
	v22 =	vmul.f32 v62, v30  }
0x171: {  	s24 =	sand.u32 $0x1FF8, s22;
	s23 =	sand.u32 $0x6, s23;
	v35 =	vld [tilespmem:s20+$0x10];
	v34 =	vmul.f32 v24, v24;
	v18 =	vadd.f32 v31, v18;
	v19 =	vadd.f32 v24, v19  }
0x172: {  	v26 =	vld [tilespmem:s20+$0x20];
	s22 =	sor.u32 s23, s24;
	v36 =	vperm.xlane v17, v14;
	v21 =	vmul.f32 v29, v33  }
0x173: {  	v27 =	vld [tilespmem:s22+$0xDD00];
	v37 =	vmul.f32 v22, v22;
	v18 =	vadd.f32 v34, v18;
	v19 =	vadd.f32 v22, v19  }
0x174: {  	v39 =	vperm.xlane v17, v15;
	v38 =	vmul.f32 v32, v36  }
0x175: {  	v41 =	vld [tilespmem:s20+$0x30];
	v40 =	vmul.f32 v21, v21;
	v18 =	vadd.f32 v37, v18;
	v19 =	vadd.f32 v21, v19  }
0x176: {  	v17 =	vperm.xlane v17, v16;
	v42 =	vmul.f32 v38, v38  }
0x177: {  	v43 =	vld [tilespmem:s20+$0x40];
	v23 =	vmul.f32 v35, v39;
	v18 =	vadd.f32 v40, v18;
	v19 =	vadd.f32 v38, v19  }
0x178: {  	v17 =	vmul.f32 v26, v17;
	v44 =	vperm.xlane v27, v0  }
0x179: {  	v46 =	vld [tilespmem:s20+$0x50];
	v45 =	vmul.f32 v23, v23;
	v18 =	vadd.f32 v42, v18;
	v19 =	vadd.f32 v23, v19  }
0x17a: {  	v47 =	vperm.xlane v27, v2;
	v21 =	vmul.f32 v41, v44  }
0x17b: {  	v48 =	vld [tilespmem:s20+$0x60];
	v18 =	vadd.f32 v45, v18;
	v19 =	vadd.f32 v17, v19;
	v17 =	vmul.f32 v17, v17  }
0x17c: {  	v49 =	vperm.xlane v27, v3;
	v22 =	vmul.f32 v43, v47  }
0x17d: {  	v50 =	vld [tilespmem:s20+$0x70];
	v17 =	vadd.f32 v17, v18;
	v18 =	vadd.f32 v21, v19;
	v19 =	vmul.f32 v21, v21  }
0x17e: {  	v51 =	vperm.xlane v27, v4;
	v23 =	vmul.f32 v46, v49  }
0x17f: {  	v52 =	vld [tilespmem:s20+$0x80];
	v17 =	vadd.f32 v19, v17;
	v18 =	vadd.f32 v22, v18;
	v19 =	vmul.f32 v22, v22  }
0x180: {  	v53 =	vperm.xlane v27, v5;
	v20 =	vmul.f32 v48, v51  }
0x181: {  	v54 =	vld [tilespmem:s20+$0x90];
	v17 =	vadd.f32 v19, v17;
	v18 =	vadd.f32 v23, v18;
	v19 =	vmul.f32 v23, v23  }
0x182: {  	v55 =	vperm.xlane v27, v6;
	v21 =	vmul.f32 v50, v53  }
0x183: {  	v56 =	vld [tilespmem:s20+$0xA0];
	v17 =	vadd.f32 v19, v17;
	v18 =	vadd.f32 v20, v18;
	v19 =	vmul.f32 v20, v20  }
0x184: {  	v57 =	vperm.xlane v27, v7;
	v22 =	vmul.f32 v52, v55  }
0x185: {  	v58 =	vld [tilespmem:s20+$0xB0];
	v17 =	vadd.f32 v19, v17;
	v18 =	vadd.f32 v21, v18;
	v19 =	vmul.f32 v21, v21  }
0x186: {  	v59 =	vperm.xlane v27, v8;
	v23 =	vmul.f32 v54, v57  }
0x187: {  	v60 =	vld [tilespmem:s20+$0xC0];
	v17 =	vadd.f32 v19, v17;
	v18 =	vadd.f32 v22, v18;
	v19 =	vmul.f32 v22, v22  }
0x188: {  	v61 =	vperm.xlane v27, v9;
	v20 =	vmul.f32 v56, v59  }
0x189: {  	v17 =	vadd.f32 v19, v17;
	v18 =	vadd.f32 v23, v18;
	v19 =	vmul.f32 v23, v23  }
0x18a: {  	v62 =	vperm.xlane v27, v10;
	v21 =	vmul.f32 v58, v61  }
0x18b: {  	v17 =	vadd.f32 v19, v17;
	v18 =	vadd.f32 v20, v18;
	v19 =	vmul.f32 v20, v20  }
0x18c: {  	v63 =	vmul.f32 v60, v62  }
0x18d: {  	v17 =	vadd.f32 v19, v17;
	v18 =	vadd.f32 v21, v18;
	v19 =	vmul.f32 v21, v21;
	_ =	sdelay $0x1  }
0x18e: {  	v17 =	vadd.f32 v19, v17;
	v18 =	vadd.f32 v63, v18;
	v19 =	vmul.f32 v63, v63;
	_ =	sdelay $0x1  }
0x18f: {  	v17 =	vadd.f32 v19, v17;
	v18 =	vmul.f32 v18, v18;
	_ =	sdelay $0x1  }
0x190: {  	v17 =	vsub.f32 v18, v17;
	_ =	sdelay $0x1  }
0x191: {  	s18 =	sadd.s32 $0x1, s18;
	v17 =	vmul.f32 $5.000000000e-01, v17  }
0x192: {  	s25 =	sadd.s32 $0x10, s21;
	s19 =	sshll.u32 s19, $0x1;
	p0 =	sne.s32 s18, $0x4  }
.Ltmp2:
0x193: {  	s26 =	simm.s32 $0x0;
	s19 =	sadd.s32 s6, s19;
	[tilespmem:s25+$0x0] =	vst v17;
	(pc) =	sbr.rel @p0 .LBB2_2-.Ltmp2, $4  }
0x194: {  	[hbm4b:s19+s26] =	stream.linear.scatter [tilespmem:s17], [sflag:$0x2], $0x800, $0x38;
	[tilespmem:$0x1C210] =	vst v63  }
0x195: {  	_ =	swait.ge [sflag:s9], $0x800  }
0x196: {  	[sflag:s9] =	ssyncset.done $0x0  }
0x197: {  	[sflag:s9] =	ssyncadd.s32 $0xFFFFF800  }
0x198: {  	s19 =	rddreg [dreg:$0x3]  }
0x199: {  	s18 =	rddreg [dreg:$0x2];
	s19 =	sadd.s32 $0x1, s19  }
0x19a: {  	p0 =	sne.s32 s19, s18  }
.Ltmp3:
0x19b: {  	_ = 	snop;
	(pc) =	sbr.rel @p0 .LBB2_1-.Ltmp3, $1  }
0x19c: {  	_ =	sdelay $0x3  }
0x19d: {  	_ =	sfence.sel $0x180000  }
0x19e: {  	[bflag:$0x0] =	sbarrier.arrive $0xFFFF  }
0x19f: {  	_ =	strace $0x90000047  }
0x1a0: {  	s0 =	stileid.u32;
	[bflag:$0x2] =	sbarrier.arrive $0xFFFF  }
0x1a1: {  	p0 =	sne.s32 s0, $0x0;
	s0 =	rddreg [dreg:$0x1]  }
0x1a2: {  	s0 =	sadd.s32 @!p0 $0x100000, s0  }
0x1a3: {  	[sflag:s0] =	ssyncadd.tile.s32 @!p0 $0x1;
	_ =	shalt  }
.Lfunc_end2:
_tile_overlayer_lowered:
.L_overlay_start_2:
0x1a4: {  	(tag) =	ssettag $0x2  }
0x1a5: {  	s0 =	rddreg [dreg:$0x0];
	s2 =	stileid.u32  }
0x1a6: {  	s1 =	rddreg [dreg:$0x1];
	p0 =	sne.s32 s2, $0x0  }
0x1a7: {  	s3 =	rddreg [dreg:$0x2];
	[bflag:$0x3] =	sbarrier.arrive $0xFFFF;
	s2 =	simm.s32 @!p0 $0x1C02  }
0x1a8: {  	[timem:s3], [sflag:s2] =	dma.local @!p0 [hbm:s0], s1  }
0x1a9: {  	s0 =	simm.s32 @!p0 $0x2  }
0x1aa: {  	_ =	swait.ge @!p0 [sflag:s0], s1  }
0x1ab: {  	s1 =	ssub.s32 @!p0 $0x0, s1;
	[sflag:s0] =	ssyncset.done @!p0 $0x0  }
0x1ac: {  	[sflag:s0] =	ssyncadd.s32 @!p0 s1  }
0x1ad: {  	[bflag:$0x3] =	sbarrier.arrive $0xFFFF  }
0x1ae: {  	_ =	shalt  }

</sc_bundles>
